<compile_context>
chip_gen: v7x
topology: tpu7x:2x2x1
jax: 0.10.2.dev20260603
libtpu: 0.0.44.dev20260713+nightly
codegen_flags: <defaults>
</compile_context>

<pallas_src>
import jax
import jax.numpy as jnp
from jax import lax
from jax.experimental import pallas as pl
from jax.experimental.pallas import tpu as pltpu
from jax.experimental.pallas import tpu_sc as plsc

_D = 32
_H = 50
_B = 16384
_NC, _NS = 2, 16
_NW = _NC * _NS
_BT = 128
_TPW = _B // (_BT * _NW)
_KH = 2
_NGRP = _H // _KH


def _gather_body(table_hbm, idx_hbm, out_hbm, idx_v, idxT, grows, obuf, gsem, ssem):
    wid = lax.axis_index("s") * _NC + lax.axis_index("c")
    iota = lax.iota(jnp.int32, 16)
    rows16 = [iota + (16 * g) for g in range(8)]

    def bt_body(t, carry):
        btg = wid * _TPW + t
        b0 = btg * _BT

        pltpu.sync_copy(idx_hbm.at[pl.ds(b0, _BT)], idx_v)

        @plsc.parallel_loop(0, _H, unroll=2)
        def _hrow(h):
            col = jnp.full((16,), h, dtype=jnp.int32)
            for g in range(8):
                vec = plsc.load_gather(idx_v, [rows16[g], col])
                idxT[h, pl.ds(16 * g, 16)] = vec

        def grp(g, c):
            gds = []
            for k in range(_KH):
                h = g * _KH + k
                gds.append(
                    pltpu.async_copy(
                        table_hbm.at[idxT.at[h]], grows.at[k], gsem.at[k]
                    )
                )
            for k in range(_KH):
                h = g * _KH + k
                gds[k].wait()

                @plsc.parallel_loop(0, _D, unroll=4)
                def _tr(d):
                    dcol = jnp.full((16,), d, dtype=jnp.int32)
                    for gg in range(8):
                        vec = plsc.load_gather(grows.at[k], [rows16[gg], dcol])
                        obuf[k, d, pl.ds(16 * gg, 16)] = vec
                for dt in range(4):
                    pltpu.async_copy(
                        obuf.at[k, pl.ds(dt * 8, 8)],
                        out_hbm.at[h, dt, btg],
                        ssem.at[k],
                    )
            for k in range(_KH):
                h = g * _KH + k
                for dt in range(4):
                    pltpu.make_async_copy(
                        obuf.at[k, pl.ds(dt * 8, 8)],
                        out_hbm.at[h, dt, btg],
                        ssem.at[k],
                    ).wait()
            return c

        lax.fori_loop(0, _NGRP, grp, 0)
        return carry

    lax.fori_loop(0, _TPW, bt_body, 0)


_gather = pl.kernel(
    _gather_body,
    out_type=jax.ShapeDtypeStruct((_H, 4, _B // _BT, 8, _BT), jnp.float32),
    mesh=plsc.VectorSubcoreMesh(core_axis_name="c", subcore_axis_name="s"),
    scratch_types=[
        pltpu.VMEM((_BT, _H), jnp.int32),
        pltpu.VMEM((_H, _BT), jnp.int32),
        pltpu.VMEM((_KH, _BT, _D), jnp.float32),
        pltpu.VMEM((_KH, _D, _BT), jnp.float32),
        pltpu.SemaphoreType.DMA((_KH,)),
        pltpu.SemaphoreType.DMA((_KH,)),
    ],
    compiler_params=pltpu.CompilerParams(
        use_tc_tiling_on_sc=False, needs_layout_passes=False
    ),
)


@jax.jit
def kernel(time, time_emb_weight):
    out5 = _gather(time_emb_weight, time)
    return out5.transpose(2, 4, 0, 1, 3).reshape(_B, _H, _D)

# --- scband reference (transcript-rebuilt; emitter-appended) ---
"""Pipeline reference for scband-time-encoder-21114059227629 (READ-ONLY COPY).

The authoritative reference and input builder live on the scoring server;
editing this copy changes nothing except your own understanding.
"""

import jax, jax.numpy as jnp
import numpy as np

TEM_TOTAL = 100000
EMBED_DIM = 32
BATCH = 16384
HIST = 50

def setup_inputs(seed: int = 0) -> dict:
    key = jax.random.key(seed)
    k_idx, k_w = jax.random.split(key)
    time = jax.random.randint(k_idx, (BATCH, HIST), 0, TEM_TOTAL, dtype=jnp.int64 if jax.config.read('jax_enable_x64') else jnp.int32)
    # Xavier uniform init for the embedding table
    bound = float(np.sqrt(6.0 / (TEM_TOTAL + EMBED_DIM)))
    w = jax.random.uniform(k_w, (TEM_TOTAL, EMBED_DIM), minval=-bound, maxval=bound, dtype=jnp.float32)
    # L2-normalize each row (p=2, dim=1), matching F.normalize in the torch module
    norm = jnp.linalg.norm(w, ord=2, axis=1, keepdims=True)
    w = w / jnp.clip(norm, 1e-12)
    return {"time": time, "time_emb_weight": w}

def reference(time, time_emb_weight):
    # nn.Embedding lookup: gather rows of the table
    return jnp.take(time_emb_weight, time, axis=0)

if __name__ == "__main__":
    import jax
    _d = setup_inputs()
    print(jax.jit(kernel)(*tuple(_d.values())))

</pallas_src>

<mosaic_0001>
#map = affine_map<(d0, d1) -> (0, 0)>
#map1 = affine_map<(d0, d1) -> (0, 0, 0, 0, 0)>
module attributes {stable_mosaic.version = 14 : i64} {
  func.func @_gather_body(%arg0: i32, %arg1: i32, %arg2: memref<100000x32xf32, #tpu.memory_space<hbm>>, %arg3: memref<16384x50xi32, #tpu.memory_space<hbm>>, %arg4: memref<50x4x128x8x128xf32, #tpu.memory_space<hbm>>, %arg5: memref<128x50xi32, #tpu.memory_space<vmem>>, %arg6: memref<50x128xi32, #tpu.memory_space<vmem>>, %arg7: memref<2x128x32xf32, #tpu.memory_space<vmem>>, %arg8: memref<2x32x128xf32, #tpu.memory_space<vmem>>, %arg9: memref<2x!tpu.dma_semaphore, #tpu.memory_space<semaphore_mem>>, %arg10: memref<2x!tpu.dma_semaphore, #tpu.memory_space<semaphore_mem>>) attributes {dimension_semantics = [#tpu.dimension_semantics<core_parallel>, #tpu.dimension_semantics<subcore_parallel>], iteration_bounds = array<i64: 2, 16>, scalar_prefetch = 0 : i64, scratch_operands = 6 : i64, tpu.core_type = #tpu.core_type<sc_vector_subcore>, window_params = [{transform_indices = #map}, {transform_indices = #map}, {transform_indices = #map1}]} {
    %mul3A = arith.constant 2 : i32
    %mul3A_0 = arith.muli %arg1, %mul3A : i32
    %add3A = arith.addi %mul3A_0, %arg0 : i32
    %iota3A = tpu.iota {dimensions = array<i32: 0>} : vector<16xi32>
    %add3A_1 = arith.constant 0 : i32
    %add3A_2 = vector.broadcast %add3A_1 : i32 to vector<16xi32>
    %add3A_3 = arith.addi %iota3A, %add3A_2 : vector<16xi32>
    %add3A_4 = arith.constant 16 : i32
    %add3A_5 = vector.broadcast %add3A_4 : i32 to vector<16xi32>
    %add3A_6 = arith.addi %iota3A, %add3A_5 : vector<16xi32>
    %add3A_7 = arith.constant 32 : i32
    %add3A_8 = vector.broadcast %add3A_7 : i32 to vector<16xi32>
    %add3A_9 = arith.addi %iota3A, %add3A_8 : vector<16xi32>
    %add3A_10 = arith.constant 48 : i32
    %add3A_11 = vector.broadcast %add3A_10 : i32 to vector<16xi32>
    %add3A_12 = arith.addi %iota3A, %add3A_11 : vector<16xi32>
    %add3A_13 = arith.constant 64 : i32
    %add3A_14 = vector.broadcast %add3A_13 : i32 to vector<16xi32>
    %add3A_15 = arith.addi %iota3A, %add3A_14 : vector<16xi32>
    %add3A_16 = arith.constant 80 : i32
    %add3A_17 = vector.broadcast %add3A_16 : i32 to vector<16xi32>
    %add3A_18 = arith.addi %iota3A, %add3A_17 : vector<16xi32>
    %add3A_19 = arith.constant 96 : i32
    %add3A_20 = vector.broadcast %add3A_19 : i32 to vector<16xi32>
    %add3A_21 = arith.addi %iota3A, %add3A_20 : vector<16xi32>
    %add3A_22 = arith.constant 112 : i32
    %add3A_23 = vector.broadcast %add3A_22 : i32 to vector<16xi32>
    %add3A_24 = arith.addi %iota3A, %add3A_23 : vector<16xi32>
    %scan3A = arith.constant 0 : i32
    %scan3A_25 = arith.constant 0 : i32
    %scan3A_26 = arith.constant 4 : i32
    %scan3A_27 = arith.addi %scan3A_25, %scan3A_26 : i32
    %scan3A_28 = arith.constant 1 : i32
    scf.for %scan3A_30 = %scan3A_25 to %scan3A_27 step %scan3A_28  : i32 {
      %mul3A_31 = arith.constant 4 : i32
      %mul3A_32 = arith.muli %add3A, %mul3A_31 : i32
      %add3A_33 = arith.addi %mul3A_32, %scan3A_30 : i32
      %mul3A_34 = arith.constant 128 : i32
      %mul3A_35 = arith.muli %add3A_33, %mul3A_34 : i32
      "tpu.region"() ({
        %run_scoped3A = tpu.sem_alloc : memref<!tpu.dma_semaphore, #tpu.memory_space<semaphore_mem>>
        %dma_start3A = arith.constant 0 : i32
        %dma_start3A_44 = tpu.memref_slice %arg3[%mul3A_35, %dma_start3A] : memref<16384x50xi32, #tpu.memory_space<hbm>> -> memref<128x50xi32, #tpu.memory_space<hbm>>
        %dma_start3A_45 = arith.constant 0 : i32
        %dma_start3A_46 = tpu.memref_slice %arg3[%mul3A_35, %dma_start3A_45] : memref<16384x50xi32, #tpu.memory_space<hbm>> -> memref<128x50xi32, #tpu.memory_space<hbm>>
        tpu.enqueue_dma source(%dma_start3A_46 : memref<128x50xi32, #tpu.memory_space<hbm>>) target(%arg5 : memref<128x50xi32, #tpu.memory_space<vmem>>) target_semaphore(%run_scoped3A : memref<!tpu.dma_semaphore, #tpu.memory_space<semaphore_mem>>)
        %dma_wait3A = arith.constant 0 : i32
        %dma_wait3A_47 = tpu.memref_slice %arg3[%mul3A_35, %dma_wait3A] : memref<16384x50xi32, #tpu.memory_space<hbm>> -> memref<128x50xi32, #tpu.memory_space<hbm>>
        %dma_wait3A_48 = arith.constant 0 : i32
        %dma_wait3A_49 = tpu.memref_slice %arg3[%mul3A_35, %dma_wait3A_48] : memref<16384x50xi32, #tpu.memory_space<hbm>> -> memref<128x50xi32, #tpu.memory_space<hbm>>
        tpu.wait_dma2 semaphore(%run_scoped3A : memref<!tpu.dma_semaphore, #tpu.memory_space<semaphore_mem>>) src(%dma_wait3A_49 : memref<128x50xi32, #tpu.memory_space<hbm>>) dst(%arg5 : memref<128x50xi32, #tpu.memory_space<vmem>>)
        tpu.yield
      }) : () -> ()
      %parallel_loop3A = arith.constant 0 : i32
      %parallel_loop3A_36 = arith.constant 50 : i32
      %parallel_loop3A_37 = arith.constant 1 : i32
      scf.for %parallel_loop3A_44 = %parallel_loop3A to %parallel_loop3A_36 step %parallel_loop3A_37  : i32 {
        %parallel_loop3A_45 = vector.broadcast %parallel_loop3A_44 : i32 to vector<16xi32>
        %parallel_loop3A_46 = tpu.vector_load_idx %arg5[%add3A_3, %parallel_loop3A_45] : memref<128x50xi32, #tpu.memory_space<vmem>>[vector<16xi32>, vector<16xi32>], vector<16xi32>,
        %parallel_loop3A_47 = arith.index_cast %parallel_loop3A_44 : i32 to index
        %parallel_loop3A_48 = arith.constant 0 : index
        %parallel_loop3A_49 = tpu.vector_load %arg6[%parallel_loop3A_47, %parallel_loop3A_48] {strides = array<i32>} : memref<50x128xi32, #tpu.memory_space<vmem>>, vector<16xi32>,
        tpu.vector_store %arg6[%parallel_loop3A_47, %parallel_loop3A_48], %parallel_loop3A_46 {strides = array<i32>} : memref<50x128xi32, #tpu.memory_space<vmem>>, vector<16xi32>,
        %parallel_loop3A_50 = tpu.vector_load_idx %arg5[%add3A_6, %parallel_loop3A_45] : memref<128x50xi32, #tpu.memory_space<vmem>>[vector<16xi32>, vector<16xi32>], vector<16xi32>,
        %parallel_loop3A_51 = arith.index_cast %parallel_loop3A_44 : i32 to index
        %parallel_loop3A_52 = arith.constant 16 : index
        %parallel_loop3A_53 = tpu.vector_load %arg6[%parallel_loop3A_51, %parallel_loop3A_52] {strides = array<i32>} : memref<50x128xi32, #tpu.memory_space<vmem>>, vector<16xi32>,
        tpu.vector_store %arg6[%parallel_loop3A_51, %parallel_loop3A_52], %parallel_loop3A_50 {strides = array<i32>} : memref<50x128xi32, #tpu.memory_space<vmem>>, vector<16xi32>,
        %parallel_loop3A_54 = tpu.vector_load_idx %arg5[%add3A_9, %parallel_loop3A_45] : memref<128x50xi32, #tpu.memory_space<vmem>>[vector<16xi32>, vector<16xi32>], vector<16xi32>,
        %parallel_loop3A_55 = arith.index_cast %parallel_loop3A_44 : i32 to index
        %parallel_loop3A_56 = arith.constant 32 : index
        %parallel_loop3A_57 = tpu.vector_load %arg6[%parallel_loop3A_55, %parallel_loop3A_56] {strides = array<i32>} : memref<50x128xi32, #tpu.memory_space<vmem>>, vector<16xi32>,
        tpu.vector_store %arg6[%parallel_loop3A_55, %parallel_loop3A_56], %parallel_loop3A_54 {strides = array<i32>} : memref<50x128xi32, #tpu.memory_space<vmem>>, vector<16xi32>,
        %parallel_loop3A_58 = tpu.vector_load_idx %arg5[%add3A_12, %parallel_loop3A_45] : memref<128x50xi32, #tpu.memory_space<vmem>>[vector<16xi32>, vector<16xi32>], vector<16xi32>,
        %parallel_loop3A_59 = arith.index_cast %parallel_loop3A_44 : i32 to index
        %parallel_loop3A_60 = arith.constant 48 : index
        %parallel_loop3A_61 = tpu.vector_load %arg6[%parallel_loop3A_59, %parallel_loop3A_60] {strides = array<i32>} : memref<50x128xi32, #tpu.memory_space<vmem>>, vector<16xi32>,
        tpu.vector_store %arg6[%parallel_loop3A_59, %parallel_loop3A_60], %parallel_loop3A_58 {strides = array<i32>} : memref<50x128xi32, #tpu.memory_space<vmem>>, vector<16xi32>,
        %parallel_loop3A_62 = tpu.vector_load_idx %arg5[%add3A_15, %parallel_loop3A_45] : memref<128x50xi32, #tpu.memory_space<vmem>>[vector<16xi32>, vector<16xi32>], vector<16xi32>,
        %parallel_loop3A_63 = arith.index_cast %parallel_loop3A_44 : i32 to index
        %parallel_loop3A_64 = arith.constant 64 : index
        %parallel_loop3A_65 = tpu.vector_load %arg6[%parallel_loop3A_63, %parallel_loop3A_64] {strides = array<i32>} : memref<50x128xi32, #tpu.memory_space<vmem>>, vector<16xi32>,
        tpu.vector_store %arg6[%parallel_loop3A_63, %parallel_loop3A_64], %parallel_loop3A_62 {strides = array<i32>} : memref<50x128xi32, #tpu.memory_space<vmem>>, vector<16xi32>,
        %parallel_loop3A_66 = tpu.vector_load_idx %arg5[%add3A_18, %parallel_loop3A_45] : memref<128x50xi32, #tpu.memory_space<vmem>>[vector<16xi32>, vector<16xi32>], vector<16xi32>,
        %parallel_loop3A_67 = arith.index_cast %parallel_loop3A_44 : i32 to index
        %parallel_loop3A_68 = arith.constant 80 : index
        %parallel_loop3A_69 = tpu.vector_load %arg6[%parallel_loop3A_67, %parallel_loop3A_68] {strides = array<i32>} : memref<50x128xi32, #tpu.memory_space<vmem>>, vector<16xi32>,
        tpu.vector_store %arg6[%parallel_loop3A_67, %parallel_loop3A_68], %parallel_loop3A_66 {strides = array<i32>} : memref<50x128xi32, #tpu.memory_space<vmem>>, vector<16xi32>,
        %parallel_loop3A_70 = tpu.vector_load_idx %arg5[%add3A_21, %parallel_loop3A_45] : memref<128x50xi32, #tpu.memory_space<vmem>>[vector<16xi32>, vector<16xi32>], vector<16xi32>,
        %parallel_loop3A_71 = arith.index_cast %parallel_loop3A_44 : i32 to index
        %parallel_loop3A_72 = arith.constant 96 : index
        %parallel_loop3A_73 = tpu.vector_load %arg6[%parallel_loop3A_71, %parallel_loop3A_72] {strides = array<i32>} : memref<50x128xi32, #tpu.memory_space<vmem>>, vector<16xi32>,
        tpu.vector_store %arg6[%parallel_loop3A_71, %parallel_loop3A_72], %parallel_loop3A_70 {strides = array<i32>} : memref<50x128xi32, #tpu.memory_space<vmem>>, vector<16xi32>,
        %parallel_loop3A_74 = tpu.vector_load_idx %arg5[%add3A_24, %parallel_loop3A_45] : memref<128x50xi32, #tpu.memory_space<vmem>>[vector<16xi32>, vector<16xi32>], vector<16xi32>,
        %parallel_loop3A_75 = arith.index_cast %parallel_loop3A_44 : i32 to index
        %parallel_loop3A_76 = arith.constant 112 : index
        %parallel_loop3A_77 = tpu.vector_load %arg6[%parallel_loop3A_75, %parallel_loop3A_76] {strides = array<i32>} : memref<50x128xi32, #tpu.memory_space<vmem>>, vector<16xi32>,
        tpu.vector_store %arg6[%parallel_loop3A_75, %parallel_loop3A_76], %parallel_loop3A_74 {strides = array<i32>} : memref<50x128xi32, #tpu.memory_space<vmem>>, vector<16xi32>,
      } {sc.loop_unroll_factor = 2 : i64, sc.parallel_access}
      %scan3A_38 = arith.constant 0 : i32
      %scan3A_39 = arith.constant 0 : i32
      %scan3A_40 = arith.constant 25 : i32
      %scan3A_41 = arith.addi %scan3A_39, %scan3A_40 : i32
      %scan3A_42 = arith.constant 1 : i32
      scf.for %scan3A_44 = %scan3A_39 to %scan3A_41 step %scan3A_42  : i32 {
        %mul3A_45 = arith.constant 2 : i32
        %mul3A_46 = arith.muli %scan3A_44, %mul3A_45 : i32
        %add3A_47 = arith.constant 0 : i32
        %add3A_48 = arith.addi %mul3A_46, %add3A_47 : i32
        %dma_start3A = arith.constant 0 : i32
        %dma_start3A_49 = arith.constant 0 : i32
        %dma_start3A_50 = arith.constant 0 : i32
        %dma_start3A_51 = arith.constant 0 : i32
        %dma_start3A_52 = tpu.memref_slice %arg7[%dma_start3A, %dma_start3A_50, %dma_start3A_51] : memref<2x128x32xf32, #tpu.memory_space<vmem>> -> memref<1x128x32xf32, #tpu.memory_space<vmem>>
        %dma_start3A_53 = tpu.memref_squeeze %dma_start3A_52 : memref<1x128x32xf32, #tpu.memory_space<vmem>> -> memref<128x32xf32, #tpu.memory_space<vmem>>
        %dma_start3A_54 = arith.constant 0 : i32
        %dma_start3A_55 = tpu.memref_slice %arg6[%add3A_48, %dma_start3A_54] : memref<50x128xi32, #tpu.memory_space<vmem>> -> memref<1x128xi32, #tpu.memory_space<vmem>>
        %dma_start3A_56 = tpu.memref_squeeze %dma_start3A_55 : memref<1x128xi32, #tpu.memory_space<vmem>> -> memref<128xi32, #tpu.memory_space<vmem>>
        %dma_start3A_57 = arith.constant 0 : i32
        %dma_start3A_58 = arith.constant 0 : i32
        %dma_start3A_59 = tpu.memref_slice %arg2[%dma_start3A_57, %dma_start3A_58] : memref<100000x32xf32, #tpu.memory_space<hbm>> -> memref<100000x32xf32, #tpu.memory_space<hbm>>
        %dma_start3A_60 = tpu.memref_slice %arg9[%dma_start3A_49] : memref<2x!tpu.dma_semaphore, #tpu.memory_space<semaphore_mem>> -> memref<1x!tpu.dma_semaphore, #tpu.memory_space<semaphore_mem>>
        %dma_start3A_61 = tpu.memref_squeeze %dma_start3A_60 : memref<1x!tpu.dma_semaphore, #tpu.memory_space<semaphore_mem>> -> memref<!tpu.dma_semaphore, #tpu.memory_space<semaphore_mem>>
        tpu.enqueue_indirect_dma source(%dma_start3A_59 : memref<100000x32xf32, #tpu.memory_space<hbm>>) target(%dma_start3A_53 : memref<128x32xf32, #tpu.memory_space<vmem>>) offsets(%dma_start3A_56 : memref<128xi32, #tpu.memory_space<vmem>>) semaphore(%dma_start3A_61 : memref<!tpu.dma_semaphore, #tpu.memory_space<semaphore_mem>>)
        %mul3A_62 = arith.constant 2 : i32
        %mul3A_63 = arith.muli %scan3A_44, %mul3A_62 : i32
        %add3A_64 = arith.constant 1 : i32
        %add3A_65 = arith.addi %mul3A_63, %add3A_64 : i32
        %dma_start3A_66 = arith.constant 1 : i32
        %dma_start3A_67 = arith.constant 1 : i32
        %dma_start3A_68 = arith.constant 0 : i32
        %dma_start3A_69 = arith.constant 0 : i32
        %dma_start3A_70 = tpu.memref_slice %arg7[%dma_start3A_66, %dma_start3A_68, %dma_start3A_69] : memref<2x128x32xf32, #tpu.memory_space<vmem>> -> memref<1x128x32xf32, #tpu.memory_space<vmem>>
        %dma_start3A_71 = tpu.memref_squeeze %dma_start3A_70 : memref<1x128x32xf32, #tpu.memory_space<vmem>> -> memref<128x32xf32, #tpu.memory_space<vmem>>
        %dma_start3A_72 = arith.constant 0 : i32
        %dma_start3A_73 = tpu.memref_slice %arg6[%add3A_65, %dma_start3A_72] : memref<50x128xi32, #tpu.memory_space<vmem>> -> memref<1x128xi32, #tpu.memory_space<vmem>>
        %dma_start3A_74 = tpu.memref_squeeze %dma_start3A_73 : memref<1x128xi32, #tpu.memory_space<vmem>> -> memref<128xi32, #tpu.memory_space<vmem>>
        %dma_start3A_75 = arith.constant 0 : i32
        %dma_start3A_76 = arith.constant 0 : i32
        %dma_start3A_77 = tpu.memref_slice %arg2[%dma_start3A_75, %dma_start3A_76] : memref<100000x32xf32, #tpu.memory_space<hbm>> -> memref<100000x32xf32, #tpu.memory_space<hbm>>
        %dma_start3A_78 = tpu.memref_slice %arg9[%dma_start3A_67] : memref<2x!tpu.dma_semaphore, #tpu.memory_space<semaphore_mem>> -> memref<1x!tpu.dma_semaphore, #tpu.memory_space<semaphore_mem>>
        %dma_start3A_79 = tpu.memref_squeeze %dma_start3A_78 : memref<1x!tpu.dma_semaphore, #tpu.memory_space<semaphore_mem>> -> memref<!tpu.dma_semaphore, #tpu.memory_space<semaphore_mem>>
        tpu.enqueue_indirect_dma source(%dma_start3A_77 : memref<100000x32xf32, #tpu.memory_space<hbm>>) target(%dma_start3A_71 : memref<128x32xf32, #tpu.memory_space<vmem>>) offsets(%dma_start3A_74 : memref<128xi32, #tpu.memory_space<vmem>>) semaphore(%dma_start3A_79 : memref<!tpu.dma_semaphore, #tpu.memory_space<semaphore_mem>>)
        %mul3A_80 = arith.constant 2 : i32
        %mul3A_81 = arith.muli %scan3A_44, %mul3A_80 : i32
        %add3A_82 = arith.constant 0 : i32
        %add3A_83 = arith.addi %mul3A_81, %add3A_82 : i32
        %dma_wait3A = arith.constant 0 : i32
        %dma_wait3A_84 = arith.constant 0 : i32
        %dma_wait3A_85 = arith.constant 0 : i32
        %dma_wait3A_86 = arith.constant 0 : i32
        %dma_wait3A_87 = tpu.memref_slice %arg7[%dma_wait3A, %dma_wait3A_85, %dma_wait3A_86] : memref<2x128x32xf32, #tpu.memory_space<vmem>> -> memref<1x128x32xf32, #tpu.memory_space<vmem>>
        %dma_wait3A_88 = tpu.memref_squeeze %dma_wait3A_87 : memref<1x128x32xf32, #tpu.memory_space<vmem>> -> memref<128x32xf32, #tpu.memory_space<vmem>>
        %dma_wait3A_89 = arith.constant 0 : i32
        %dma_wait3A_90 = tpu.memref_slice %arg6[%add3A_48, %dma_wait3A_89] : memref<50x128xi32, #tpu.memory_space<vmem>> -> memref<1x128xi32, #tpu.memory_space<vmem>>
        %dma_wait3A_91 = tpu.memref_squeeze %dma_wait3A_90 : memref<1x128xi32, #tpu.memory_space<vmem>> -> memref<128xi32, #tpu.memory_space<vmem>>
        %dma_wait3A_92 = arith.constant 0 : i32
        %dma_wait3A_93 = arith.constant 0 : i32
        %dma_wait3A_94 = tpu.memref_slice %arg2[%dma_wait3A_92, %dma_wait3A_93] : memref<100000x32xf32, #tpu.memory_space<hbm>> -> memref<100000x32xf32, #tpu.memory_space<hbm>>
        %dma_wait3A_95 = tpu.memref_slice %arg9[%dma_wait3A_84] : memref<2x!tpu.dma_semaphore, #tpu.memory_space<semaphore_mem>> -> memref<1x!tpu.dma_semaphore, #tpu.memory_space<semaphore_mem>>
        %dma_wait3A_96 = tpu.memref_squeeze %dma_wait3A_95 : memref<1x!tpu.dma_semaphore, #tpu.memory_space<semaphore_mem>> -> memref<!tpu.dma_semaphore, #tpu.memory_space<semaphore_mem>>
        tpu.wait_indirect_dma semaphore(%dma_wait3A_96 : memref<!tpu.dma_semaphore, #tpu.memory_space<semaphore_mem>>) src(%dma_wait3A_94 : memref<100000x32xf32, #tpu.memory_space<hbm>>) dst(%dma_wait3A_88 : memref<128x32xf32, #tpu.memory_space<vmem>>)
        %parallel_loop3A_97 = arith.constant 0 : i32
        %parallel_loop3A_98 = arith.constant 32 : i32
        %parallel_loop3A_99 = arith.constant 1 : i32
        scf.for %parallel_loop3A_465 = %parallel_loop3A_97 to %parallel_loop3A_98 step %parallel_loop3A_99  : i32 {
          %parallel_loop3A_466 = vector.broadcast %parallel_loop3A_465 : i32 to vector<16xi32>
          %parallel_loop3A_467 = arith.constant 0 : i32
          %parallel_loop3A_468 = arith.constant 0 : i32
          %parallel_loop3A_469 = arith.constant 0 : i32
          %parallel_loop3A_470 = tpu.memref_slice %arg7[%parallel_loop3A_467, %parallel_loop3A_468, %parallel_loop3A_469] : memref<2x128x32xf32, #tpu.memory_space<vmem>> -> memref<1x128x32xf32, #tpu.memory_space<vmem>>
          %parallel_loop3A_471 = tpu.memref_squeeze %parallel_loop3A_470 : memref<1x128x32xf32, #tpu.memory_space<vmem>> -> memref<128x32xf32, #tpu.memory_space<vmem>>
          %parallel_loop3A_472 = tpu.vector_load_idx %parallel_loop3A_471[%add3A_3, %parallel_loop3A_466] : memref<128x32xf32, #tpu.memory_space<vmem>>[vector<16xi32>, vector<16xi32>], vector<16xf32>,
          %parallel_loop3A_473 = arith.constant 0 : i32
          %parallel_loop3A_474 = arith.index_cast %parallel_loop3A_473 : i32 to index
          %parallel_loop3A_475 = arith.index_cast %parallel_loop3A_465 : i32 to index
          %parallel_loop3A_476 = arith.constant 0 : index
          %parallel_loop3A_477 = tpu.vector_load %arg8[%parallel_loop3A_474, %parallel_loop3A_475, %parallel_loop3A_476] {strides = array<i32>} : memref<2x32x128xf32, #tpu.memory_space<vmem>>, vector<16xf32>,
          tpu.vector_store %arg8[%parallel_loop3A_474, %parallel_loop3A_475, %parallel_loop3A_476], %parallel_loop3A_472 {strides = array<i32>} : memref<2x32x128xf32, #tpu.memory_space<vmem>>, vector<16xf32>,
          %parallel_loop3A_478 = arith.constant 0 : i32
          %parallel_loop3A_479 = arith.constant 0 : i32
          %parallel_loop3A_480 = arith.constant 0 : i32
          %parallel_loop3A_481 = tpu.memref_slice %arg7[%parallel_loop3A_478, %parallel_loop3A_479, %parallel_loop3A_480] : memref<2x128x32xf32, #tpu.memory_space<vmem>> -> memref<1x128x32xf32, #tpu.memory_space<vmem>>
          %parallel_loop3A_482 = tpu.memref_squeeze %parallel_loop3A_481 : memref<1x128x32xf32, #tpu.memory_space<vmem>> -> memref<128x32xf32, #tpu.memory_space<vmem>>
          %parallel_loop3A_483 = tpu.vector_load_idx %parallel_loop3A_482[%add3A_6, %parallel_loop3A_466] : memref<128x32xf32, #tpu.memory_space<vmem>>[vector<16xi32>, vector<16xi32>], vector<16xf32>,
          %parallel_loop3A_484 = arith.constant 0 : i32
          %parallel_loop3A_485 = arith.index_cast %parallel_loop3A_484 : i32 to index
          %parallel_loop3A_486 = arith.index_cast %parallel_loop3A_465 : i32 to index
          %parallel_loop3A_487 = arith.constant 16 : index
          %parallel_loop3A_488 = tpu.vector_load %arg8[%parallel_loop3A_485, %parallel_loop3A_486, %parallel_loop3A_487] {strides = array<i32>} : memref<2x32x128xf32, #tpu.memory_space<vmem>>, vector<16xf32>,
          tpu.vector_store %arg8[%parallel_loop3A_485, %parallel_loop3A_486, %parallel_loop3A_487], %parallel_loop3A_483 {strides = array<i32>} : memref<2x32x128xf32, #tpu.memory_space<vmem>>, vector<16xf32>,
          %parallel_loop3A_489 = arith.constant 0 : i32
          %parallel_loop3A_490 = arith.constant 0 : i32
          %parallel_loop3A_491 = arith.constant 0 : i32
          %parallel_loop3A_492 = tpu.memref_slice %arg7[%parallel_loop3A_489, %parallel_loop3A_490, %parallel_loop3A_491] : memref<2x128x32xf32, #tpu.memory_space<vmem>> -> memref<1x128x32xf32, #tpu.memory_space<vmem>>
          %parallel_loop3A_493 = tpu.memref_squeeze %parallel_loop3A_492 : memref<1x128x32xf32, #tpu.memory_space<vmem>> -> memref<128x32xf32, #tpu.memory_space<vmem>>
          %parallel_loop3A_494 = tpu.vector_load_idx %parallel_loop3A_493[%add3A_9, %parallel_loop3A_466] : memref<128x32xf32, #tpu.memory_space<vmem>>[vector<16xi32>, vector<16xi32>], vector<16xf32>,
          %parallel_loop3A_495 = arith.constant 0 : i32
          %parallel_loop3A_496 = arith.index_cast %parallel_loop3A_495 : i32 to index
          %parallel_loop3A_497 = arith.index_cast %parallel_loop3A_465 : i32 to index
          %parallel_loop3A_498 = arith.constant 32 : index
          %parallel_loop3A_499 = tpu.vector_load %arg8[%parallel_loop3A_496, %parallel_loop3A_497, %parallel_loop3A_498] {strides = array<i32>} : memref<2x32x128xf32, #tpu.memory_space<vmem>>, vector<16xf32>,
          tpu.vector_store %arg8[%parallel_loop3A_496, %parallel_loop3A_497, %parallel_loop3A_498], %parallel_loop3A_494 {strides = array<i32>} : memref<2x32x128xf32, #tpu.memory_space<vmem>>, vector<16xf32>,
          %parallel_loop3A_500 = arith.constant 0 : i32
          %parallel_loop3A_501 = arith.constant 0 : i32
          %parallel_loop3A_502 = arith.constant 0 : i32
          %parallel_loop3A_503 = tpu.memref_slice %arg7[%parallel_loop3A_500, %parallel_loop3A_501, %parallel_loop3A_502] : memref<2x128x32xf32, #tpu.memory_space<vmem>> -> memref<1x128x32xf32, #tpu.memory_space<vmem>>
          %parallel_loop3A_504 = tpu.memref_squeeze %parallel_loop3A_503 : memref<1x128x32xf32, #tpu.memory_space<vmem>> -> memref<128x32xf32, #tpu.memory_space<vmem>>
          %parallel_loop3A_505 = tpu.vector_load_idx %parallel_loop3A_504[%add3A_12, %parallel_loop3A_466] : memref<128x32xf32, #tpu.memory_space<vmem>>[vector<16xi32>, vector<16xi32>], vector<16xf32>,
          %parallel_loop3A_506 = arith.constant 0 : i32
          %parallel_loop3A_507 = arith.index_cast %parallel_loop3A_506 : i32 to index
          %parallel_loop3A_508 = arith.index_cast %parallel_loop3A_465 : i32 to index
          %parallel_loop3A_509 = arith.constant 48 : index
          %parallel_loop3A_510 = tpu.vector_load %arg8[%parallel_loop3A_507, %parallel_loop3A_508, %parallel_loop3A_509] {strides = array<i32>} : memref<2x32x128xf32, #tpu.memory_space<vmem>>, vector<16xf32>,
          tpu.vector_store %arg8[%parallel_loop3A_507, %parallel_loop3A_508, %parallel_loop3A_509], %parallel_loop3A_505 {strides = array<i32>} : memref<2x32x128xf32, #tpu.memory_space<vmem>>, vector<16xf32>,
          %parallel_loop3A_511 = arith.constant 0 : i32
          %parallel_loop3A_512 = arith.constant 0 : i32
          %parallel_loop3A_513 = arith.constant 0 : i32
          %parallel_loop3A_514 = tpu.memref_slice %arg7[%parallel_loop3A_511, %parallel_loop3A_512, %parallel_loop3A_513] : memref<2x128x32xf32, #tpu.memory_space<vmem>> -> memref<1x128x32xf32, #tpu.memory_space<vmem>>
          %parallel_loop3A_515 = tpu.memref_squeeze %parallel_loop3A_514 : memref<1x128x32xf32, #tpu.memory_space<vmem>> -> memref<128x32xf32, #tpu.memory_space<vmem>>
          %parallel_loop3A_516 = tpu.vector_load_idx %parallel_loop3A_515[%add3A_15, %parallel_loop3A_466] : memref<128x32xf32, #tpu.memory_space<vmem>>[vector<16xi32>, vector<16xi32>], vector<16xf32>,
          %parallel_loop3A_517 = arith.constant 0 : i32
          %parallel_loop3A_518 = arith.index_cast %parallel_loop3A_517 : i32 to index
          %parallel_loop3A_519 = arith.index_cast %parallel_loop3A_465 : i32 to index
          %parallel_loop3A_520 = arith.constant 64 : index
          %parallel_loop3A_521 = tpu.vector_load %arg8[%parallel_loop3A_518, %parallel_loop3A_519, %parallel_loop3A_520] {strides = array<i32>} : memref<2x32x128xf32, #tpu.memory_space<vmem>>, vector<16xf32>,
          tpu.vector_store %arg8[%parallel_loop3A_518, %parallel_loop3A_519, %parallel_loop3A_520], %parallel_loop3A_516 {strides = array<i32>} : memref<2x32x128xf32, #tpu.memory_space<vmem>>, vector<16xf32>,
          %parallel_loop3A_522 = arith.constant 0 : i32
          %parallel_loop3A_523 = arith.constant 0 : i32
          %parallel_loop3A_524 = arith.constant 0 : i32
          %parallel_loop3A_525 = tpu.memref_slice %arg7[%parallel_loop3A_522, %parallel_loop3A_523, %parallel_loop3A_524] : memref<2x128x32xf32, #tpu.memory_space<vmem>> -> memref<1x128x32xf32, #tpu.memory_space<vmem>>
          %parallel_loop3A_526 = tpu.memref_squeeze %parallel_loop3A_525 : memref<1x128x32xf32, #tpu.memory_space<vmem>> -> memref<128x32xf32, #tpu.memory_space<vmem>>
          %parallel_loop3A_527 = tpu.vector_load_idx %parallel_loop3A_526[%add3A_18, %parallel_loop3A_466] : memref<128x32xf32, #tpu.memory_space<vmem>>[vector<16xi32>, vector<16xi32>], vector<16xf32>,
          %parallel_loop3A_528 = arith.constant 0 : i32
          %parallel_loop3A_529 = arith.index_cast %parallel_loop3A_528 : i32 to index
          %parallel_loop3A_530 = arith.index_cast %parallel_loop3A_465 : i32 to index
          %parallel_loop3A_531 = arith.constant 80 : index
          %parallel_loop3A_532 = tpu.vector_load %arg8[%parallel_loop3A_529, %parallel_loop3A_530, %parallel_loop3A_531] {strides = array<i32>} : memref<2x32x128xf32, #tpu.memory_space<vmem>>, vector<16xf32>,
          tpu.vector_store %arg8[%parallel_loop3A_529, %parallel_loop3A_530, %parallel_loop3A_531], %parallel_loop3A_527 {strides = array<i32>} : memref<2x32x128xf32, #tpu.memory_space<vmem>>, vector<16xf32>,
          %parallel_loop3A_533 = arith.constant 0 : i32
          %parallel_loop3A_534 = arith.constant 0 : i32
          %parallel_loop3A_535 = arith.constant 0 : i32
          %parallel_loop3A_536 = tpu.memref_slice %arg7[%parallel_loop3A_533, %parallel_loop3A_534, %parallel_loop3A_535] : memref<2x128x32xf32, #tpu.memory_space<vmem>> -> memref<1x128x32xf32, #tpu.memory_space<vmem>>
          %parallel_loop3A_537 = tpu.memref_squeeze %parallel_loop3A_536 : memref<1x128x32xf32, #tpu.memory_space<vmem>> -> memref<128x32xf32, #tpu.memory_space<vmem>>
          %parallel_loop3A_538 = tpu.vector_load_idx %parallel_loop3A_537[%add3A_21, %parallel_loop3A_466] : memref<128x32xf32, #tpu.memory_space<vmem>>[vector<16xi32>, vector<16xi32>], vector<16xf32>,
          %parallel_loop3A_539 = arith.constant 0 : i32
          %parallel_loop3A_540 = arith.index_cast %parallel_loop3A_539 : i32 to index
          %parallel_loop3A_541 = arith.index_cast %parallel_loop3A_465 : i32 to index
          %parallel_loop3A_542 = arith.constant 96 : index
          %parallel_loop3A_543 = tpu.vector_load %arg8[%parallel_loop3A_540, %parallel_loop3A_541, %parallel_loop3A_542] {strides = array<i32>} : memref<2x32x128xf32, #tpu.memory_space<vmem>>, vector<16xf32>,
          tpu.vector_store %arg8[%parallel_loop3A_540, %parallel_loop3A_541, %parallel_loop3A_542], %parallel_loop3A_538 {strides = array<i32>} : memref<2x32x128xf32, #tpu.memory_space<vmem>>, vector<16xf32>,
          %parallel_loop3A_544 = arith.constant 0 : i32
          %parallel_loop3A_545 = arith.constant 0 : i32
          %parallel_loop3A_546 = arith.constant 0 : i32
          %parallel_loop3A_547 = tpu.memref_slice %arg7[%parallel_loop3A_544, %parallel_loop3A_545, %parallel_loop3A_546] : memref<2x128x32xf32, #tpu.memory_space<vmem>> -> memref<1x128x32xf32, #tpu.memory_space<vmem>>
          %parallel_loop3A_548 = tpu.memref_squeeze %parallel_loop3A_547 : memref<1x128x32xf32, #tpu.memory_space<vmem>> -> memref<128x32xf32, #tpu.memory_space<vmem>>
          %parallel_loop3A_549 = tpu.vector_load_idx %parallel_loop3A_548[%add3A_24, %parallel_loop3A_466] : memref<128x32xf32, #tpu.memory_space<vmem>>[vector<16xi32>, vector<16xi32>], vector<16xf32>,
          %parallel_loop3A_550 = arith.constant 0 : i32
          %parallel_loop3A_551 = arith.index_cast %parallel_loop3A_550 : i32 to index
          %parallel_loop3A_552 = arith.index_cast %parallel_loop3A_465 : i32 to index
          %parallel_loop3A_553 = arith.constant 112 : index
          %parallel_loop3A_554 = tpu.vector_load %arg8[%parallel_loop3A_551, %parallel_loop3A_552, %parallel_loop3A_553] {strides = array<i32>} : memref<2x32x128xf32, #tpu.memory_space<vmem>>, vector<16xf32>,
          tpu.vector_store %arg8[%parallel_loop3A_551, %parallel_loop3A_552, %parallel_loop3A_553], %parallel_loop3A_549 {strides = array<i32>} : memref<2x32x128xf32, #tpu.memory_space<vmem>>, vector<16xf32>,
        } {sc.loop_unroll_factor = 4 : i64, sc.parallel_access}
        %dma_start3A_100 = arith.constant 0 : i32
        %dma_start3A_101 = arith.constant 0 : i32
        %dma_start3A_102 = arith.constant 0 : i32
        %dma_start3A_103 = arith.constant 0 : i32
        %dma_start3A_104 = arith.constant 0 : i32
        %dma_start3A_105 = tpu.memref_slice %arg8[%dma_start3A_100, %dma_start3A_103, %dma_start3A_104] : memref<2x32x128xf32, #tpu.memory_space<vmem>> -> memref<1x8x128xf32, #tpu.memory_space<vmem>>
        %dma_start3A_106 = tpu.memref_squeeze %dma_start3A_105 : memref<1x8x128xf32, #tpu.memory_space<vmem>> -> memref<8x128xf32, #tpu.memory_space<vmem>>
        %dma_start3A_107 = arith.constant 0 : i32
        %dma_start3A_108 = arith.constant 0 : i32
        %dma_start3A_109 = tpu.memref_slice %arg4[%add3A_83, %dma_start3A_101, %add3A_33, %dma_start3A_107, %dma_start3A_108] : memref<50x4x128x8x128xf32, #tpu.memory_space<hbm>> -> memref<1x1x1x8x128xf32, #tpu.memory_space<hbm>>
        %dma_start3A_110 = tpu.memref_squeeze %dma_start3A_109 : memref<1x1x1x8x128xf32, #tpu.memory_space<hbm>> -> memref<8x128xf32, #tpu.memory_space<hbm>>
        %dma_start3A_111 = tpu.memref_slice %arg10[%dma_start3A_102] : memref<2x!tpu.dma_semaphore, #tpu.memory_space<semaphore_mem>> -> memref<1x!tpu.dma_semaphore, #tpu.memory_space<semaphore_mem>>
        %dma_start3A_112 = tpu.memref_squeeze %dma_start3A_111 : memref<1x!tpu.dma_semaphore, #tpu.memory_space<semaphore_mem>> -> memref<!tpu.dma_semaphore, #tpu.memory_space<semaphore_mem>>
        %dma_start3A_113 = arith.constant 0 : i32
        %dma_start3A_114 = arith.constant 0 : i32
        %dma_start3A_115 = tpu.memref_slice %arg4[%add3A_83, %dma_start3A_101, %add3A_33, %dma_start3A_113, %dma_start3A_114] : memref<50x4x128x8x128xf32, #tpu.memory_space<hbm>> -> memref<1x1x1x8x128xf32, #tpu.memory_space<hbm>>
        %dma_start3A_116 = tpu.memref_squeeze %dma_start3A_115 : memref<1x1x1x8x128xf32, #tpu.memory_space<hbm>> -> memref<8x128xf32, #tpu.memory_space<hbm>>
        %dma_start3A_117 = arith.constant 0 : i32
        %dma_start3A_118 = arith.constant 0 : i32
        %dma_start3A_119 = tpu.memref_slice %arg8[%dma_start3A_100, %dma_start3A_117, %dma_start3A_118] : memref<2x32x128xf32, #tpu.memory_space<vmem>> -> memref<1x8x128xf32, #tpu.memory_space<vmem>>
        %dma_start3A_120 = tpu.memref_squeeze %dma_start3A_119 : memref<1x8x128xf32, #tpu.memory_space<vmem>> -> memref<8x128xf32, #tpu.memory_space<vmem>>
        tpu.enqueue_dma source(%dma_start3A_120 : memref<8x128xf32, #tpu.memory_space<vmem>>) target(%dma_start3A_116 : memref<8x128xf32, #tpu.memory_space<hbm>>) target_semaphore(%dma_start3A_112 : memref<!tpu.dma_semaphore, #tpu.memory_space<semaphore_mem>>)
        %dma_start3A_121 = arith.constant 0 : i32
        %dma_start3A_122 = arith.constant 1 : i32
        %dma_start3A_123 = arith.constant 0 : i32
        %dma_start3A_124 = arith.constant 8 : i32
        %dma_start3A_125 = arith.constant 0 : i32
        %dma_start3A_126 = tpu.memref_slice %arg8[%dma_start3A_121, %dma_start3A_124, %dma_start3A_125] : memref<2x32x128xf32, #tpu.memory_space<vmem>> -> memref<1x8x128xf32, #tpu.memory_space<vmem>>
        %dma_start3A_127 = tpu.memref_squeeze %dma_start3A_126 : memref<1x8x128xf32, #tpu.memory_space<vmem>> -> memref<8x128xf32, #tpu.memory_space<vmem>>
        %dma_start3A_128 = arith.constant 0 : i32
        %dma_start3A_129 = arith.constant 0 : i32
        %dma_start3A_130 = tpu.memref_slice %arg4[%add3A_83, %dma_start3A_122, %add3A_33, %dma_start3A_128, %dma_start3A_129] : memref<50x4x128x8x128xf32, #tpu.memory_space<hbm>> -> memref<1x1x1x8x128xf32, #tpu.memory_space<hbm>>
        %dma_start3A_131 = tpu.memref_squeeze %dma_start3A_130 : memref<1x1x1x8x128xf32, #tpu.memory_space<hbm>> -> memref<8x128xf32, #tpu.memory_space<hbm>>
        %dma_start3A_132 = tpu.memref_slice %arg10[%dma_start3A_123] : memref<2x!tpu.dma_semaphore, #tpu.memory_space<semaphore_mem>> -> memref<1x!tpu.dma_semaphore, #tpu.memory_space<semaphore_mem>>
        %dma_start3A_133 = tpu.memref_squeeze %dma_start3A_132 : memref<1x!tpu.dma_semaphore, #tpu.memory_space<semaphore_mem>> -> memref<!tpu.dma_semaphore, #tpu.memory_space<semaphore_mem>>
        %dma_start3A_134 = arith.constant 0 : i32
        %dma_start3A_135 = arith.constant 0 : i32
        %dma_start3A_136 = tpu.memref_slice %arg4[%add3A_83, %dma_start3A_122, %add3A_33, %dma_start3A_134, %dma_start3A_135] : memref<50x4x128x8x128xf32, #tpu.memory_space<hbm>> -> memref<1x1x1x8x128xf32, #tpu.memory_space<hbm>>
        %dma_start3A_137 = tpu.memref_squeeze %dma_start3A_136 : memref<1x1x1x8x128xf32, #tpu.memory_space<hbm>> -> memref<8x128xf32, #tpu.memory_space<hbm>>
        %dma_start3A_138 = arith.constant 8 : i32
        %dma_start3A_139 = arith.constant 0 : i32
        %dma_start3A_140 = tpu.memref_slice %arg8[%dma_start3A_121, %dma_start3A_138, %dma_start3A_139] : memref<2x32x128xf32, #tpu.memory_space<vmem>> -> memref<1x8x128xf32, #tpu.memory_space<vmem>>
        %dma_start3A_141 = tpu.memref_squeeze %dma_start3A_140 : memref<1x8x128xf32, #tpu.memory_space<vmem>> -> memref<8x128xf32, #tpu.memory_space<vmem>>
        tpu.enqueue_dma source(%dma_start3A_141 : memref<8x128xf32, #tpu.memory_space<vmem>>) target(%dma_start3A_137 : memref<8x128xf32, #tpu.memory_space<hbm>>) target_semaphore(%dma_start3A_133 : memref<!tpu.dma_semaphore, #tpu.memory_space<semaphore_mem>>)
        %dma_start3A_142 = arith.constant 0 : i32
        %dma_start3A_143 = arith.constant 2 : i32
        %dma_start3A_144 = arith.constant 0 : i32
        %dma_start3A_145 = arith.constant 16 : i32
        %dma_start3A_146 = arith.constant 0 : i32
        %dma_start3A_147 = tpu.memref_slice %arg8[%dma_start3A_142, %dma_start3A_145, %dma_start3A_146] : memref<2x32x128xf32, #tpu.memory_space<vmem>> -> memref<1x8x128xf32, #tpu.memory_space<vmem>>
        %dma_start3A_148 = tpu.memref_squeeze %dma_start3A_147 : memref<1x8x128xf32, #tpu.memory_space<vmem>> -> memref<8x128xf32, #tpu.memory_space<vmem>>
        %dma_start3A_149 = arith.constant 0 : i32
        %dma_start3A_150 = arith.constant 0 : i32
        %dma_start3A_151 = tpu.memref_slice %arg4[%add3A_83, %dma_start3A_143, %add3A_33, %dma_start3A_149, %dma_start3A_150] : memref<50x4x128x8x128xf32, #tpu.memory_space<hbm>> -> memref<1x1x1x8x128xf32, #tpu.memory_space<hbm>>
        %dma_start3A_152 = tpu.memref_squeeze %dma_start3A_151 : memref<1x1x1x8x128xf32, #tpu.memory_space<hbm>> -> memref<8x128xf32, #tpu.memory_space<hbm>>
        %dma_start3A_153 = tpu.memref_slice %arg10[%dma_start3A_144] : memref<2x!tpu.dma_semaphore, #tpu.memory_space<semaphore_mem>> -> memref<1x!tpu.dma_semaphore, #tpu.memory_space<semaphore_mem>>
        %dma_start3A_154 = tpu.memref_squeeze %dma_start3A_153 : memref<1x!tpu.dma_semaphore, #tpu.memory_space<semaphore_mem>> -> memref<!tpu.dma_semaphore, #tpu.memory_space<semaphore_mem>>
        %dma_start3A_155 = arith.constant 0 : i32
        %dma_start3A_156 = arith.constant 0 : i32
        %dma_start3A_157 = tpu.memref_slice %arg4[%add3A_83, %dma_start3A_143, %add3A_33, %dma_start3A_155, %dma_start3A_156] : memref<50x4x128x8x128xf32, #tpu.memory_space<hbm>> -> memref<1x1x1x8x128xf32, #tpu.memory_space<hbm>>
        %dma_start3A_158 = tpu.memref_squeeze %dma_start3A_157 : memref<1x1x1x8x128xf32, #tpu.memory_space<hbm>> -> memref<8x128xf32, #tpu.memory_space<hbm>>
        %dma_start3A_159 = arith.constant 16 : i32
        %dma_start3A_160 = arith.constant 0 : i32
        %dma_start3A_161 = tpu.memref_slice %arg8[%dma_start3A_142, %dma_start3A_159, %dma_start3A_160] : memref<2x32x128xf32, #tpu.memory_space<vmem>> -> memref<1x8x128xf32, #tpu.memory_space<vmem>>
        %dma_start3A_162 = tpu.memref_squeeze %dma_start3A_161 : memref<1x8x128xf32, #tpu.memory_space<vmem>> -> memref<8x128xf32, #tpu.memory_space<vmem>>
        tpu.enqueue_dma source(%dma_start3A_162 : memref<8x128xf32, #tpu.memory_space<vmem>>) target(%dma_start3A_158 : memref<8x128xf32, #tpu.memory_space<hbm>>) target_semaphore(%dma_start3A_154 : memref<!tpu.dma_semaphore, #tpu.memory_space<semaphore_mem>>)
        %dma_start3A_163 = arith.constant 0 : i32
        %dma_start3A_164 = arith.constant 3 : i32
        %dma_start3A_165 = arith.constant 0 : i32
        %dma_start3A_166 = arith.constant 24 : i32
        %dma_start3A_167 = arith.constant 0 : i32
        %dma_start3A_168 = tpu.memref_slice %arg8[%dma_start3A_163, %dma_start3A_166, %dma_start3A_167] : memref<2x32x128xf32, #tpu.memory_space<vmem>> -> memref<1x8x128xf32, #tpu.memory_space<vmem>>
        %dma_start3A_169 = tpu.memref_squeeze %dma_start3A_168 : memref<1x8x128xf32, #tpu.memory_space<vmem>> -> memref<8x128xf32, #tpu.memory_space<vmem>>
        %dma_start3A_170 = arith.constant 0 : i32
        %dma_start3A_171 = arith.constant 0 : i32
        %dma_start3A_172 = tpu.memref_slice %arg4[%add3A_83, %dma_start3A_164, %add3A_33, %dma_start3A_170, %dma_start3A_171] : memref<50x4x128x8x128xf32, #tpu.memory_space<hbm>> -> memref<1x1x1x8x128xf32, #tpu.memory_space<hbm>>
        %dma_start3A_173 = tpu.memref_squeeze %dma_start3A_172 : memref<1x1x1x8x128xf32, #tpu.memory_space<hbm>> -> memref<8x128xf32, #tpu.memory_space<hbm>>
        %dma_start3A_174 = tpu.memref_slice %arg10[%dma_start3A_165] : memref<2x!tpu.dma_semaphore, #tpu.memory_space<semaphore_mem>> -> memref<1x!tpu.dma_semaphore, #tpu.memory_space<semaphore_mem>>
        %dma_start3A_175 = tpu.memref_squeeze %dma_start3A_174 : memref<1x!tpu.dma_semaphore, #tpu.memory_space<semaphore_mem>> -> memref<!tpu.dma_semaphore, #tpu.memory_space<semaphore_mem>>
        %dma_start3A_176 = arith.constant 0 : i32
        %dma_start3A_177 = arith.constant 0 : i32
        %dma_start3A_178 = tpu.memref_slice %arg4[%add3A_83, %dma_start3A_164, %add3A_33, %dma_start3A_176, %dma_start3A_177] : memref<50x4x128x8x128xf32, #tpu.memory_space<hbm>> -> memref<1x1x1x8x128xf32, #tpu.memory_space<hbm>>
        %dma_start3A_179 = tpu.memref_squeeze %dma_start3A_178 : memref<1x1x1x8x128xf32, #tpu.memory_space<hbm>> -> memref<8x128xf32, #tpu.memory_space<hbm>>
        %dma_start3A_180 = arith.constant 24 : i32
        %dma_start3A_181 = arith.constant 0 : i32
        %dma_start3A_182 = tpu.memref_slice %arg8[%dma_start3A_163, %dma_start3A_180, %dma_start3A_181] : memref<2x32x128xf32, #tpu.memory_space<vmem>> -> memref<1x8x128xf32, #tpu.memory_space<vmem>>
        %dma_start3A_183 = tpu.memref_squeeze %dma_start3A_182 : memref<1x8x128xf32, #tpu.memory_space<vmem>> -> memref<8x128xf32, #tpu.memory_space<vmem>>
        tpu.enqueue_dma source(%dma_start3A_183 : memref<8x128xf32, #tpu.memory_space<vmem>>) target(%dma_start3A_179 : memref<8x128xf32, #tpu.memory_space<hbm>>) target_semaphore(%dma_start3A_175 : memref<!tpu.dma_semaphore, #tpu.memory_space<semaphore_mem>>)
        %mul3A_184 = arith.constant 2 : i32
        %mul3A_185 = arith.muli %scan3A_44, %mul3A_184 : i32
        %add3A_186 = arith.constant 1 : i32
        %add3A_187 = arith.addi %mul3A_185, %add3A_186 : i32
        %dma_wait3A_188 = arith.constant 1 : i32
        %dma_wait3A_189 = arith.constant 1 : i32
        %dma_wait3A_190 = arith.constant 0 : i32
        %dma_wait3A_191 = arith.constant 0 : i32
        %dma_wait3A_192 = tpu.memref_slice %arg7[%dma_wait3A_188, %dma_wait3A_190, %dma_wait3A_191] : memref<2x128x32xf32, #tpu.memory_space<vmem>> -> memref<1x128x32xf32, #tpu.memory_space<vmem>>
        %dma_wait3A_193 = tpu.memref_squeeze %dma_wait3A_192 : memref<1x128x32xf32, #tpu.memory_space<vmem>> -> memref<128x32xf32, #tpu.memory_space<vmem>>
        %dma_wait3A_194 = arith.constant 0 : i32
        %dma_wait3A_195 = tpu.memref_slice %arg6[%add3A_65, %dma_wait3A_194] : memref<50x128xi32, #tpu.memory_space<vmem>> -> memref<1x128xi32, #tpu.memory_space<vmem>>
        %dma_wait3A_196 = tpu.memref_squeeze %dma_wait3A_195 : memref<1x128xi32, #tpu.memory_space<vmem>> -> memref<128xi32, #tpu.memory_space<vmem>>
        %dma_wait3A_197 = arith.constant 0 : i32
        %dma_wait3A_198 = arith.constant 0 : i32
        %dma_wait3A_199 = tpu.memref_slice %arg2[%dma_wait3A_197, %dma_wait3A_198] : memref<100000x32xf32, #tpu.memory_space<hbm>> -> memref<100000x32xf32, #tpu.memory_space<hbm>>
        %dma_wait3A_200 = tpu.memref_slice %arg9[%dma_wait3A_189] : memref<2x!tpu.dma_semaphore, #tpu.memory_space<semaphore_mem>> -> memref<1x!tpu.dma_semaphore, #tpu.memory_space<semaphore_mem>>
        %dma_wait3A_201 = tpu.memref_squeeze %dma_wait3A_200 : memref<1x!tpu.dma_semaphore, #tpu.memory_space<semaphore_mem>> -> memref<!tpu.dma_semaphore, #tpu.memory_space<semaphore_mem>>
        tpu.wait_indirect_dma semaphore(%dma_wait3A_201 : memref<!tpu.dma_semaphore, #tpu.memory_space<semaphore_mem>>) src(%dma_wait3A_199 : memref<100000x32xf32, #tpu.memory_space<hbm>>) dst(%dma_wait3A_193 : memref<128x32xf32, #tpu.memory_space<vmem>>)
        %parallel_loop3A_202 = arith.constant 0 : i32
        %parallel_loop3A_203 = arith.constant 32 : i32
        %parallel_loop3A_204 = arith.constant 1 : i32
        scf.for %parallel_loop3A_465 = %parallel_loop3A_202 to %parallel_loop3A_203 step %parallel_loop3A_204  : i32 {
          %parallel_loop3A_466 = vector.broadcast %parallel_loop3A_465 : i32 to vector<16xi32>
          %parallel_loop3A_467 = arith.constant 1 : i32
          %parallel_loop3A_468 = arith.constant 0 : i32
          %parallel_loop3A_469 = arith.constant 0 : i32
          %parallel_loop3A_470 = tpu.memref_slice %arg7[%parallel_loop3A_467, %parallel_loop3A_468, %parallel_loop3A_469] : memref<2x128x32xf32, #tpu.memory_space<vmem>> -> memref<1x128x32xf32, #tpu.memory_space<vmem>>
          %parallel_loop3A_471 = tpu.memref_squeeze %parallel_loop3A_470 : memref<1x128x32xf32, #tpu.memory_space<vmem>> -> memref<128x32xf32, #tpu.memory_space<vmem>>
          %parallel_loop3A_472 = tpu.vector_load_idx %parallel_loop3A_471[%add3A_3, %parallel_loop3A_466] : memref<128x32xf32, #tpu.memory_space<vmem>>[vector<16xi32>, vector<16xi32>], vector<16xf32>,
          %parallel_loop3A_473 = arith.constant 1 : i32
          %parallel_loop3A_474 = arith.index_cast %parallel_loop3A_473 : i32 to index
          %parallel_loop3A_475 = arith.index_cast %parallel_loop3A_465 : i32 to index
          %parallel_loop3A_476 = arith.constant 0 : index
          %parallel_loop3A_477 = tpu.vector_load %arg8[%parallel_loop3A_474, %parallel_loop3A_475, %parallel_loop3A_476] {strides = array<i32>} : memref<2x32x128xf32, #tpu.memory_space<vmem>>, vector<16xf32>,
          tpu.vector_store %arg8[%parallel_loop3A_474, %parallel_loop3A_475, %parallel_loop3A_476], %parallel_loop3A_472 {strides = array<i32>} : memref<2x32x128xf32, #tpu.memory_space<vmem>>, vector<16xf32>,
          %parallel_loop3A_478 = arith.constant 1 : i32
          %parallel_loop3A_479 = arith.constant 0 : i32
          %parallel_loop3A_480 = arith.constant 0 : i32
          %parallel_loop3A_481 = tpu.memref_slice %arg7[%parallel_loop3A_478, %parallel_loop3A_479, %parallel_loop3A_480] : memref<2x128x32xf32, #tpu.memory_space<vmem>> -> memref<1x128x32xf32, #tpu.memory_space<vmem>>
          %parallel_loop3A_482 = tpu.memref_squeeze %parallel_loop3A_481 : memref<1x128x32xf32, #tpu.memory_space<vmem>> -> memref<128x32xf32, #tpu.memory_space<vmem>>
          %parallel_loop3A_483 = tpu.vector_load_idx %parallel_loop3A_482[%add3A_6, %parallel_loop3A_466] : memref<128x32xf32, #tpu.memory_space<vmem>>[vector<16xi32>, vector<16xi32>], vector<16xf32>,
          %parallel_loop3A_484 = arith.constant 1 : i32
          %parallel_loop3A_485 = arith.index_cast %parallel_loop3A_484 : i32 to index
          %parallel_loop3A_486 = arith.index_cast %parallel_loop3A_465 : i32 to index
          %parallel_loop3A_487 = arith.constant 16 : index
          %parallel_loop3A_488 = tpu.vector_load %arg8[%parallel_loop3A_485, %parallel_loop3A_486, %parallel_loop3A_487] {strides = array<i32>} : memref<2x32x128xf32, #tpu.memory_space<vmem>>, vector<16xf32>,
          tpu.vector_store %arg8[%parallel_loop3A_485, %parallel_loop3A_486, %parallel_loop3A_487], %parallel_loop3A_483 {strides = array<i32>} : memref<2x32x128xf32, #tpu.memory_space<vmem>>, vector<16xf32>,
          %parallel_loop3A_489 = arith.constant 1 : i32
          %parallel_loop3A_490 = arith.constant 0 : i32
          %parallel_loop3A_491 = arith.constant 0 : i32
          %parallel_loop3A_492 = tpu.memref_slice %arg7[%parallel_loop3A_489, %parallel_loop3A_490, %parallel_loop3A_491] : memref<2x128x32xf32, #tpu.memory_space<vmem>> -> memref<1x128x32xf32, #tpu.memory_space<vmem>>
          %parallel_loop3A_493 = tpu.memref_squeeze %parallel_loop3A_492 : memref<1x128x32xf32, #tpu.memory_space<vmem>> -> memref<128x32xf32, #tpu.memory_space<vmem>>
          %parallel_loop3A_494 = tpu.vector_load_idx %parallel_loop3A_493[%add3A_9, %parallel_loop3A_466] : memref<128x32xf32, #tpu.memory_space<vmem>>[vector<16xi32>, vector<16xi32>], vector<16xf32>,
          %parallel_loop3A_495 = arith.constant 1 : i32
          %parallel_loop3A_496 = arith.index_cast %parallel_loop3A_495 : i32 to index
          %parallel_loop3A_497 = arith.index_cast %parallel_loop3A_465 : i32 to index
          %parallel_loop3A_498 = arith.constant 32 : index
          %parallel_loop3A_499 = tpu.vector_load %arg8[%parallel_loop3A_496, %parallel_loop3A_497, %parallel_loop3A_498] {strides = array<i32>} : memref<2x32x128xf32, #tpu.memory_space<vmem>>, vector<16xf32>,
          tpu.vector_store %arg8[%parallel_loop3A_496, %parallel_loop3A_497, %parallel_loop3A_498], %parallel_loop3A_494 {strides = array<i32>} : memref<2x32x128xf32, #tpu.memory_space<vmem>>, vector<16xf32>,
          %parallel_loop3A_500 = arith.constant 1 : i32
          %parallel_loop3A_501 = arith.constant 0 : i32
          %parallel_loop3A_502 = arith.constant 0 : i32
          %parallel_loop3A_503 = tpu.memref_slice %arg7[%parallel_loop3A_500, %parallel_loop3A_501, %parallel_loop3A_502] : memref<2x128x32xf32, #tpu.memory_space<vmem>> -> memref<1x128x32xf32, #tpu.memory_space<vmem>>
          %parallel_loop3A_504 = tpu.memref_squeeze %parallel_loop3A_503 : memref<1x128x32xf32, #tpu.memory_space<vmem>> -> memref<128x32xf32, #tpu.memory_space<vmem>>
          %parallel_loop3A_505 = tpu.vector_load_idx %parallel_loop3A_504[%add3A_12, %parallel_loop3A_466] : memref<128x32xf32, #tpu.memory_space<vmem>>[vector<16xi32>, vector<16xi32>], vector<16xf32>,
          %parallel_loop3A_506 = arith.constant 1 : i32
          %parallel_loop3A_507 = arith.index_cast %parallel_loop3A_506 : i32 to index
          %parallel_loop3A_508 = arith.index_cast %parallel_loop3A_465 : i32 to index
          %parallel_loop3A_509 = arith.constant 48 : index
          %parallel_loop3A_510 = tpu.vector_load %arg8[%parallel_loop3A_507, %parallel_loop3A_508, %parallel_loop3A_509] {strides = array<i32>} : memref<2x32x128xf32, #tpu.memory_space<vmem>>, vector<16xf32>,
          tpu.vector_store %arg8[%parallel_loop3A_507, %parallel_loop3A_508, %parallel_loop3A_509], %parallel_loop3A_505 {strides = array<i32>} : memref<2x32x128xf32, #tpu.memory_space<vmem>>, vector<16xf32>,
          %parallel_loop3A_511 = arith.constant 1 : i32
          %parallel_loop3A_512 = arith.constant 0 : i32
          %parallel_loop3A_513 = arith.constant 0 : i32
          %parallel_loop3A_514 = tpu.memref_slice %arg7[%parallel_loop3A_511, %parallel_loop3A_512, %parallel_loop3A_513] : memref<2x128x32xf32, #tpu.memory_space<vmem>> -> memref<1x128x32xf32, #tpu.memory_space<vmem>>
          %parallel_loop3A_515 = tpu.memref_squeeze %parallel_loop3A_514 : memref<1x128x32xf32, #tpu.memory_space<vmem>> -> memref<128x32xf32, #tpu.memory_space<vmem>>
          %parallel_loop3A_516 = tpu.vector_load_idx %parallel_loop3A_515[%add3A_15, %parallel_loop3A_466] : memref<128x32xf32, #tpu.memory_space<vmem>>[vector<16xi32>, vector<16xi32>], vector<16xf32>,
          %parallel_loop3A_517 = arith.constant 1 : i32
          %parallel_loop3A_518 = arith.index_cast %parallel_loop3A_517 : i32 to index
          %parallel_loop3A_519 = arith.index_cast %parallel_loop3A_465 : i32 to index
          %parallel_loop3A_520 = arith.constant 64 : index
          %parallel_loop3A_521 = tpu.vector_load %arg8[%parallel_loop3A_518, %parallel_loop3A_519, %parallel_loop3A_520] {strides = array<i32>} : memref<2x32x128xf32, #tpu.memory_space<vmem>>, vector<16xf32>,
          tpu.vector_store %arg8[%parallel_loop3A_518, %parallel_loop3A_519, %parallel_loop3A_520], %parallel_loop3A_516 {strides = array<i32>} : memref<2x32x128xf32, #tpu.memory_space<vmem>>, vector<16xf32>,
          %parallel_loop3A_522 = arith.constant 1 : i32
          %parallel_loop3A_523 = arith.constant 0 : i32
          %parallel_loop3A_524 = arith.constant 0 : i32
          %parallel_loop3A_525 = tpu.memref_slice %arg7[%parallel_loop3A_522, %parallel_loop3A_523, %parallel_loop3A_524] : memref<2x128x32xf32, #tpu.memory_space<vmem>> -> memref<1x128x32xf32, #tpu.memory_space<vmem>>
          %parallel_loop3A_526 = tpu.memref_squeeze %parallel_loop3A_525 : memref<1x128x32xf32, #tpu.memory_space<vmem>> -> memref<128x32xf32, #tpu.memory_space<vmem>>
          %parallel_loop3A_527 = tpu.vector_load_idx %parallel_loop3A_526[%add3A_18, %parallel_loop3A_466] : memref<128x32xf32, #tpu.memory_space<vmem>>[vector<16xi32>, vector<16xi32>], vector<16xf32>,
          %parallel_loop3A_528 = arith.constant 1 : i32
          %parallel_loop3A_529 = arith.index_cast %parallel_loop3A_528 : i32 to index
          %parallel_loop3A_530 = arith.index_cast %parallel_loop3A_465 : i32 to index
          %parallel_loop3A_531 = arith.constant 80 : index
          %parallel_loop3A_532 = tpu.vector_load %arg8[%parallel_loop3A_529, %parallel_loop3A_530, %parallel_loop3A_531] {strides = array<i32>} : memref<2x32x128xf32, #tpu.memory_space<vmem>>, vector<16xf32>,
          tpu.vector_store %arg8[%parallel_loop3A_529, %parallel_loop3A_530, %parallel_loop3A_531], %parallel_loop3A_527 {strides = array<i32>} : memref<2x32x128xf32, #tpu.memory_space<vmem>>, vector<16xf32>,
          %parallel_loop3A_533 = arith.constant 1 : i32
          %parallel_loop3A_534 = arith.constant 0 : i32
          %parallel_loop3A_535 = arith.constant 0 : i32
          %parallel_loop3A_536 = tpu.memref_slice %arg7[%parallel_loop3A_533, %parallel_loop3A_534, %parallel_loop3A_535] : memref<2x128x32xf32, #tpu.memory_space<vmem>> -> memref<1x128x32xf32, #tpu.memory_space<vmem>>
          %parallel_loop3A_537 = tpu.memref_squeeze %parallel_loop3A_536 : memref<1x128x32xf32, #tpu.memory_space<vmem>> -> memref<128x32xf32, #tpu.memory_space<vmem>>
          %parallel_loop3A_538 = tpu.vector_load_idx %parallel_loop3A_537[%add3A_21, %parallel_loop3A_466] : memref<128x32xf32, #tpu.memory_space<vmem>>[vector<16xi32>, vector<16xi32>], vector<16xf32>,
          %parallel_loop3A_539 = arith.constant 1 : i32
          %parallel_loop3A_540 = arith.index_cast %parallel_loop3A_539 : i32 to index
          %parallel_loop3A_541 = arith.index_cast %parallel_loop3A_465 : i32 to index
          %parallel_loop3A_542 = arith.constant 96 : index
          %parallel_loop3A_543 = tpu.vector_load %arg8[%parallel_loop3A_540, %parallel_loop3A_541, %parallel_loop3A_542] {strides = array<i32>} : memref<2x32x128xf32, #tpu.memory_space<vmem>>, vector<16xf32>,
          tpu.vector_store %arg8[%parallel_loop3A_540, %parallel_loop3A_541, %parallel_loop3A_542], %parallel_loop3A_538 {strides = array<i32>} : memref<2x32x128xf32, #tpu.memory_space<vmem>>, vector<16xf32>,
          %parallel_loop3A_544 = arith.constant 1 : i32
          %parallel_loop3A_545 = arith.constant 0 : i32
          %parallel_loop3A_546 = arith.constant 0 : i32
          %parallel_loop3A_547 = tpu.memref_slice %arg7[%parallel_loop3A_544, %parallel_loop3A_545, %parallel_loop3A_546] : memref<2x128x32xf32, #tpu.memory_space<vmem>> -> memref<1x128x32xf32, #tpu.memory_space<vmem>>
          %parallel_loop3A_548 = tpu.memref_squeeze %parallel_loop3A_547 : memref<1x128x32xf32, #tpu.memory_space<vmem>> -> memref<128x32xf32, #tpu.memory_space<vmem>>
          %parallel_loop3A_549 = tpu.vector_load_idx %parallel_loop3A_548[%add3A_24, %parallel_loop3A_466] : memref<128x32xf32, #tpu.memory_space<vmem>>[vector<16xi32>, vector<16xi32>], vector<16xf32>,
          %parallel_loop3A_550 = arith.constant 1 : i32
          %parallel_loop3A_551 = arith.index_cast %parallel_loop3A_550 : i32 to index
          %parallel_loop3A_552 = arith.index_cast %parallel_loop3A_465 : i32 to index
          %parallel_loop3A_553 = arith.constant 112 : index
          %parallel_loop3A_554 = tpu.vector_load %arg8[%parallel_loop3A_551, %parallel_loop3A_552, %parallel_loop3A_553] {strides = array<i32>} : memref<2x32x128xf32, #tpu.memory_space<vmem>>, vector<16xf32>,
          tpu.vector_store %arg8[%parallel_loop3A_551, %parallel_loop3A_552, %parallel_loop3A_553], %parallel_loop3A_549 {strides = array<i32>} : memref<2x32x128xf32, #tpu.memory_space<vmem>>, vector<16xf32>,
        } {sc.loop_unroll_factor = 4 : i64, sc.parallel_access}
        %dma_start3A_205 = arith.constant 1 : i32
        %dma_start3A_206 = arith.constant 0 : i32
        %dma_start3A_207 = arith.constant 1 : i32
        %dma_start3A_208 = arith.constant 0 : i32
        %dma_start3A_209 = arith.constant 0 : i32
        %dma_start3A_210 = tpu.memref_slice %arg8[%dma_start3A_205, %dma_start3A_208, %dma_start3A_209] : memref<2x32x128xf32, #tpu.memory_space<vmem>> -> memref<1x8x128xf32, #tpu.memory_space<vmem>>
        %dma_start3A_211 = tpu.memref_squeeze %dma_start3A_210 : memref<1x8x128xf32, #tpu.memory_space<vmem>> -> memref<8x128xf32, #tpu.memory_space<vmem>>
        %dma_start3A_212 = arith.constant 0 : i32
        %dma_start3A_213 = arith.constant 0 : i32
        %dma_start3A_214 = tpu.memref_slice %arg4[%add3A_187, %dma_start3A_206, %add3A_33, %dma_start3A_212, %dma_start3A_213] : memref<50x4x128x8x128xf32, #tpu.memory_space<hbm>> -> memref<1x1x1x8x128xf32, #tpu.memory_space<hbm>>
        %dma_start3A_215 = tpu.memref_squeeze %dma_start3A_214 : memref<1x1x1x8x128xf32, #tpu.memory_space<hbm>> -> memref<8x128xf32, #tpu.memory_space<hbm>>
        %dma_start3A_216 = tpu.memref_slice %arg10[%dma_start3A_207] : memref<2x!tpu.dma_semaphore, #tpu.memory_space<semaphore_mem>> -> memref<1x!tpu.dma_semaphore, #tpu.memory_space<semaphore_mem>>
        %dma_start3A_217 = tpu.memref_squeeze %dma_start3A_216 : memref<1x!tpu.dma_semaphore, #tpu.memory_space<semaphore_mem>> -> memref<!tpu.dma_semaphore, #tpu.memory_space<semaphore_mem>>
        %dma_start3A_218 = arith.constant 0 : i32
        %dma_start3A_219 = arith.constant 0 : i32
        %dma_start3A_220 = tpu.memref_slice %arg4[%add3A_187, %dma_start3A_206, %add3A_33, %dma_start3A_218, %dma_start3A_219] : memref<50x4x128x8x128xf32, #tpu.memory_space<hbm>> -> memref<1x1x1x8x128xf32, #tpu.memory_space<hbm>>
        %dma_start3A_221 = tpu.memref_squeeze %dma_start3A_220 : memref<1x1x1x8x128xf32, #tpu.memory_space<hbm>> -> memref<8x128xf32, #tpu.memory_space<hbm>>
        %dma_start3A_222 = arith.constant 0 : i32
        %dma_start3A_223 = arith.constant 0 : i32
        %dma_start3A_224 = tpu.memref_slice %arg8[%dma_start3A_205, %dma_start3A_222, %dma_start3A_223] : memref<2x32x128xf32, #tpu.memory_space<vmem>> -> memref<1x8x128xf32, #tpu.memory_space<vmem>>
        %dma_start3A_225 = tpu.memref_squeeze %dma_start3A_224 : memref<1x8x128xf32, #tpu.memory_space<vmem>> -> memref<8x128xf32, #tpu.memory_space<vmem>>
        tpu.enqueue_dma source(%dma_start3A_225 : memref<8x128xf32, #tpu.memory_space<vmem>>) target(%dma_start3A_221 : memref<8x128xf32, #tpu.memory_space<hbm>>) target_semaphore(%dma_start3A_217 : memref<!tpu.dma_semaphore, #tpu.memory_space<semaphore_mem>>)
        %dma_start3A_226 = arith.constant 1 : i32
        %dma_start3A_227 = arith.constant 1 : i32
        %dma_start3A_228 = arith.constant 1 : i32
        %dma_start3A_229 = arith.constant 8 : i32
        %dma_start3A_230 = arith.constant 0 : i32
        %dma_start3A_231 = tpu.memref_slice %arg8[%dma_start3A_226, %dma_start3A_229, %dma_start3A_230] : memref<2x32x128xf32, #tpu.memory_space<vmem>> -> memref<1x8x128xf32, #tpu.memory_space<vmem>>
        %dma_start3A_232 = tpu.memref_squeeze %dma_start3A_231 : memref<1x8x128xf32, #tpu.memory_space<vmem>> -> memref<8x128xf32, #tpu.memory_space<vmem>>
        %dma_start3A_233 = arith.constant 0 : i32
        %dma_start3A_234 = arith.constant 0 : i32
        %dma_start3A_235 = tpu.memref_slice %arg4[%add3A_187, %dma_start3A_227, %add3A_33, %dma_start3A_233, %dma_start3A_234] : memref<50x4x128x8x128xf32, #tpu.memory_space<hbm>> -> memref<1x1x1x8x128xf32, #tpu.memory_space<hbm>>
        %dma_start3A_236 = tpu.memref_squeeze %dma_start3A_235 : memref<1x1x1x8x128xf32, #tpu.memory_space<hbm>> -> memref<8x128xf32, #tpu.memory_space<hbm>>
        %dma_start3A_237 = tpu.memref_slice %arg10[%dma_start3A_228] : memref<2x!tpu.dma_semaphore, #tpu.memory_space<semaphore_mem>> -> memref<1x!tpu.dma_semaphore, #tpu.memory_space<semaphore_mem>>
        %dma_start3A_238 = tpu.memref_squeeze %dma_start3A_237 : memref<1x!tpu.dma_semaphore, #tpu.memory_space<semaphore_mem>> -> memref<!tpu.dma_semaphore, #tpu.memory_space<semaphore_mem>>
        %dma_start3A_239 = arith.constant 0 : i32
        %dma_start3A_240 = arith.constant 0 : i32
        %dma_start3A_241 = tpu.memref_slice %arg4[%add3A_187, %dma_start3A_227, %add3A_33, %dma_start3A_239, %dma_start3A_240] : memref<50x4x128x8x128xf32, #tpu.memory_space<hbm>> -> memref<1x1x1x8x128xf32, #tpu.memory_space<hbm>>
        %dma_start3A_242 = tpu.memref_squeeze %dma_start3A_241 : memref<1x1x1x8x128xf32, #tpu.memory_space<hbm>> -> memref<8x128xf32, #tpu.memory_space<hbm>>
        %dma_start3A_243 = arith.constant 8 : i32
        %dma_start3A_244 = arith.constant 0 : i32
        %dma_start3A_245 = tpu.memref_slice %arg8[%dma_start3A_226, %dma_start3A_243, %dma_start3A_244] : memref<2x32x128xf32, #tpu.memory_space<vmem>> -> memref<1x8x128xf32, #tpu.memory_space<vmem>>
        %dma_start3A_246 = tpu.memref_squeeze %dma_start3A_245 : memref<1x8x128xf32, #tpu.memory_space<vmem>> -> memref<8x128xf32, #tpu.memory_space<vmem>>
        tpu.enqueue_dma source(%dma_start3A_246 : memref<8x128xf32, #tpu.memory_space<vmem>>) target(%dma_start3A_242 : memref<8x128xf32, #tpu.memory_space<hbm>>) target_semaphore(%dma_start3A_238 : memref<!tpu.dma_semaphore, #tpu.memory_space<semaphore_mem>>)
        %dma_start3A_247 = arith.constant 1 : i32
        %dma_start3A_248 = arith.constant 2 : i32
        %dma_start3A_249 = arith.constant 1 : i32
        %dma_start3A_250 = arith.constant 16 : i32
        %dma_start3A_251 = arith.constant 0 : i32
        %dma_start3A_252 = tpu.memref_slice %arg8[%dma_start3A_247, %dma_start3A_250, %dma_start3A_251] : memref<2x32x128xf32, #tpu.memory_space<vmem>> -> memref<1x8x128xf32, #tpu.memory_space<vmem>>
        %dma_start3A_253 = tpu.memref_squeeze %dma_start3A_252 : memref<1x8x128xf32, #tpu.memory_space<vmem>> -> memref<8x128xf32, #tpu.memory_space<vmem>>
        %dma_start3A_254 = arith.constant 0 : i32
        %dma_start3A_255 = arith.constant 0 : i32
        %dma_start3A_256 = tpu.memref_slice %arg4[%add3A_187, %dma_start3A_248, %add3A_33, %dma_start3A_254, %dma_start3A_255] : memref<50x4x128x8x128xf32, #tpu.memory_space<hbm>> -> memref<1x1x1x8x128xf32, #tpu.memory_space<hbm>>
        %dma_start3A_257 = tpu.memref_squeeze %dma_start3A_256 : memref<1x1x1x8x128xf32, #tpu.memory_space<hbm>> -> memref<8x128xf32, #tpu.memory_space<hbm>>
        %dma_start3A_258 = tpu.memref_slice %arg10[%dma_start3A_249] : memref<2x!tpu.dma_semaphore, #tpu.memory_space<semaphore_mem>> -> memref<1x!tpu.dma_semaphore, #tpu.memory_space<semaphore_mem>>
        %dma_start3A_259 = tpu.memref_squeeze %dma_start3A_258 : memref<1x!tpu.dma_semaphore, #tpu.memory_space<semaphore_mem>> -> memref<!tpu.dma_semaphore, #tpu.memory_space<semaphore_mem>>
        %dma_start3A_260 = arith.constant 0 : i32
        %dma_start3A_261 = arith.constant 0 : i32
        %dma_start3A_262 = tpu.memref_slice %arg4[%add3A_187, %dma_start3A_248, %add3A_33, %dma_start3A_260, %dma_start3A_261] : memref<50x4x128x8x128xf32, #tpu.memory_space<hbm>> -> memref<1x1x1x8x128xf32, #tpu.memory_space<hbm>>
        %dma_start3A_263 = tpu.memref_squeeze %dma_start3A_262 : memref<1x1x1x8x128xf32, #tpu.memory_space<hbm>> -> memref<8x128xf32, #tpu.memory_space<hbm>>
        %dma_start3A_264 = arith.constant 16 : i32
        %dma_start3A_265 = arith.constant 0 : i32
        %dma_start3A_266 = tpu.memref_slice %arg8[%dma_start3A_247, %dma_start3A_264, %dma_start3A_265] : memref<2x32x128xf32, #tpu.memory_space<vmem>> -> memref<1x8x128xf32, #tpu.memory_space<vmem>>
        %dma_start3A_267 = tpu.memref_squeeze %dma_start3A_266 : memref<1x8x128xf32, #tpu.memory_space<vmem>> -> memref<8x128xf32, #tpu.memory_space<vmem>>
        tpu.enqueue_dma source(%dma_start3A_267 : memref<8x128xf32, #tpu.memory_space<vmem>>) target(%dma_start3A_263 : memref<8x128xf32, #tpu.memory_space<hbm>>) target_semaphore(%dma_start3A_259 : memref<!tpu.dma_semaphore, #tpu.memory_space<semaphore_mem>>)
        %dma_start3A_268 = arith.constant 1 : i32
        %dma_start3A_269 = arith.constant 3 : i32
        %dma_start3A_270 = arith.constant 1 : i32
        %dma_start3A_271 = arith.constant 24 : i32
        %dma_start3A_272 = arith.constant 0 : i32
        %dma_start3A_273 = tpu.memref_slice %arg8[%dma_start3A_268, %dma_start3A_271, %dma_start3A_272] : memref<2x32x128xf32, #tpu.memory_space<vmem>> -> memref<1x8x128xf32, #tpu.memory_space<vmem>>
        %dma_start3A_274 = tpu.memref_squeeze %dma_start3A_273 : memref<1x8x128xf32, #tpu.memory_space<vmem>> -> memref<8x128xf32, #tpu.memory_space<vmem>>
        %dma_start3A_275 = arith.constant 0 : i32
        %dma_start3A_276 = arith.constant 0 : i32
        %dma_start3A_277 = tpu.memref_slice %arg4[%add3A_187, %dma_start3A_269, %add3A_33, %dma_start3A_275, %dma_start3A_276] : memref<50x4x128x8x128xf32, #tpu.memory_space<hbm>> -> memref<1x1x1x8x128xf32, #tpu.memory_space<hbm>>
        %dma_start3A_278 = tpu.memref_squeeze %dma_start3A_277 : memref<1x1x1x8x128xf32, #tpu.memory_space<hbm>> -> memref<8x128xf32, #tpu.memory_space<hbm>>
        %dma_start3A_279 = tpu.memref_slice %arg10[%dma_start3A_270] : memref<2x!tpu.dma_semaphore, #tpu.memory_space<semaphore_mem>> -> memref<1x!tpu.dma_semaphore, #tpu.memory_space<semaphore_mem>>
        %dma_start3A_280 = tpu.memref_squeeze %dma_start3A_279 : memref<1x!tpu.dma_semaphore, #tpu.memory_space<semaphore_mem>> -> memref<!tpu.dma_semaphore, #tpu.memory_space<semaphore_mem>>
        %dma_start3A_281 = arith.constant 0 : i32
        %dma_start3A_282 = arith.constant 0 : i32
        %dma_start3A_283 = tpu.memref_slice %arg4[%add3A_187, %dma_start3A_269, %add3A_33, %dma_start3A_281, %dma_start3A_282] : memref<50x4x128x8x128xf32, #tpu.memory_space<hbm>> -> memref<1x1x1x8x128xf32, #tpu.memory_space<hbm>>
        %dma_start3A_284 = tpu.memref_squeeze %dma_start3A_283 : memref<1x1x1x8x128xf32, #tpu.memory_space<hbm>> -> memref<8x128xf32, #tpu.memory_space<hbm>>
        %dma_start3A_285 = arith.constant 24 : i32
        %dma_start3A_286 = arith.constant 0 : i32
        %dma_start3A_287 = tpu.memref_slice %arg8[%dma_start3A_268, %dma_start3A_285, %dma_start3A_286] : memref<2x32x128xf32, #tpu.memory_space<vmem>> -> memref<1x8x128xf32, #tpu.memory_space<vmem>>
        %dma_start3A_288 = tpu.memref_squeeze %dma_start3A_287 : memref<1x8x128xf32, #tpu.memory_space<vmem>> -> memref<8x128xf32, #tpu.memory_space<vmem>>
        tpu.enqueue_dma source(%dma_start3A_288 : memref<8x128xf32, #tpu.memory_space<vmem>>) target(%dma_start3A_284 : memref<8x128xf32, #tpu.memory_space<hbm>>) target_semaphore(%dma_start3A_280 : memref<!tpu.dma_semaphore, #tpu.memory_space<semaphore_mem>>)
        %mul3A_289 = arith.constant 2 : i32
        %mul3A_290 = arith.muli %scan3A_44, %mul3A_289 : i32
        %add3A_291 = arith.constant 0 : i32
        %add3A_292 = arith.addi %mul3A_290, %add3A_291 : i32
        %dma_wait3A_293 = arith.constant 0 : i32
        %dma_wait3A_294 = arith.constant 0 : i32
        %dma_wait3A_295 = arith.constant 0 : i32
        %dma_wait3A_296 = arith.constant 0 : i32
        %dma_wait3A_297 = arith.constant 0 : i32
        %dma_wait3A_298 = tpu.memref_slice %arg8[%dma_wait3A_293, %dma_wait3A_296, %dma_wait3A_297] : memref<2x32x128xf32, #tpu.memory_space<vmem>> -> memref<1x8x128xf32, #tpu.memory_space<vmem>>
        %dma_wait3A_299 = tpu.memref_squeeze %dma_wait3A_298 : memref<1x8x128xf32, #tpu.memory_space<vmem>> -> memref<8x128xf32, #tpu.memory_space<vmem>>
        %dma_wait3A_300 = arith.constant 0 : i32
        %dma_wait3A_301 = arith.constant 0 : i32
        %dma_wait3A_302 = tpu.memref_slice %arg4[%add3A_292, %dma_wait3A_294, %add3A_33, %dma_wait3A_300, %dma_wait3A_301] : memref<50x4x128x8x128xf32, #tpu.memory_space<hbm>> -> memref<1x1x1x8x128xf32, #tpu.memory_space<hbm>>
        %dma_wait3A_303 = tpu.memref_squeeze %dma_wait3A_302 : memref<1x1x1x8x128xf32, #tpu.memory_space<hbm>> -> memref<8x128xf32, #tpu.memory_space<hbm>>
        %dma_wait3A_304 = tpu.memref_slice %arg10[%dma_wait3A_295] : memref<2x!tpu.dma_semaphore, #tpu.memory_space<semaphore_mem>> -> memref<1x!tpu.dma_semaphore, #tpu.memory_space<semaphore_mem>>
        %dma_wait3A_305 = tpu.memref_squeeze %dma_wait3A_304 : memref<1x!tpu.dma_semaphore, #tpu.memory_space<semaphore_mem>> -> memref<!tpu.dma_semaphore, #tpu.memory_space<semaphore_mem>>
        %dma_wait3A_306 = arith.constant 0 : i32
        %dma_wait3A_307 = arith.constant 0 : i32
        %dma_wait3A_308 = tpu.memref_slice %arg4[%add3A_292, %dma_wait3A_294, %add3A_33, %dma_wait3A_306, %dma_wait3A_307] : memref<50x4x128x8x128xf32, #tpu.memory_space<hbm>> -> memref<1x1x1x8x128xf32, #tpu.memory_space<hbm>>
        %dma_wait3A_309 = tpu.memref_squeeze %dma_wait3A_308 : memref<1x1x1x8x128xf32, #tpu.memory_space<hbm>> -> memref<8x128xf32, #tpu.memory_space<hbm>>
        %dma_wait3A_310 = arith.constant 0 : i32
        %dma_wait3A_311 = arith.constant 0 : i32
        %dma_wait3A_312 = tpu.memref_slice %arg8[%dma_wait3A_293, %dma_wait3A_310, %dma_wait3A_311] : memref<2x32x128xf32, #tpu.memory_space<vmem>> -> memref<1x8x128xf32, #tpu.memory_space<vmem>>
        %dma_wait3A_313 = tpu.memref_squeeze %dma_wait3A_312 : memref<1x8x128xf32, #tpu.memory_space<vmem>> -> memref<8x128xf32, #tpu.memory_space<vmem>>
        tpu.wait_dma2 semaphore(%dma_wait3A_305 : memref<!tpu.dma_semaphore, #tpu.memory_space<semaphore_mem>>) src(%dma_wait3A_313 : memref<8x128xf32, #tpu.memory_space<vmem>>) dst(%dma_wait3A_309 : memref<8x128xf32, #tpu.memory_space<hbm>>)
        %dma_wait3A_314 = arith.constant 0 : i32
        %dma_wait3A_315 = arith.constant 1 : i32
        %dma_wait3A_316 = arith.constant 0 : i32
        %dma_wait3A_317 = arith.constant 8 : i32
        %dma_wait3A_318 = arith.constant 0 : i32
        %dma_wait3A_319 = tpu.memref_slice %arg8[%dma_wait3A_314, %dma_wait3A_317, %dma_wait3A_318] : memref<2x32x128xf32, #tpu.memory_space<vmem>> -> memref<1x8x128xf32, #tpu.memory_space<vmem>>
        %dma_wait3A_320 = tpu.memref_squeeze %dma_wait3A_319 : memref<1x8x128xf32, #tpu.memory_space<vmem>> -> memref<8x128xf32, #tpu.memory_space<vmem>>
        %dma_wait3A_321 = arith.constant 0 : i32
        %dma_wait3A_322 = arith.constant 0 : i32
        %dma_wait3A_323 = tpu.memref_slice %arg4[%add3A_292, %dma_wait3A_315, %add3A_33, %dma_wait3A_321, %dma_wait3A_322] : memref<50x4x128x8x128xf32, #tpu.memory_space<hbm>> -> memref<1x1x1x8x128xf32, #tpu.memory_space<hbm>>
        %dma_wait3A_324 = tpu.memref_squeeze %dma_wait3A_323 : memref<1x1x1x8x128xf32, #tpu.memory_space<hbm>> -> memref<8x128xf32, #tpu.memory_space<hbm>>
        %dma_wait3A_325 = tpu.memref_slice %arg10[%dma_wait3A_316] : memref<2x!tpu.dma_semaphore, #tpu.memory_space<semaphore_mem>> -> memref<1x!tpu.dma_semaphore, #tpu.memory_space<semaphore_mem>>
        %dma_wait3A_326 = tpu.memref_squeeze %dma_wait3A_325 : memref<1x!tpu.dma_semaphore, #tpu.memory_space<semaphore_mem>> -> memref<!tpu.dma_semaphore, #tpu.memory_space<semaphore_mem>>
        %dma_wait3A_327 = arith.constant 0 : i32
        %dma_wait3A_328 = arith.constant 0 : i32
        %dma_wait3A_329 = tpu.memref_slice %arg4[%add3A_292, %dma_wait3A_315, %add3A_33, %dma_wait3A_327, %dma_wait3A_328] : memref<50x4x128x8x128xf32, #tpu.memory_space<hbm>> -> memref<1x1x1x8x128xf32, #tpu.memory_space<hbm>>
        %dma_wait3A_330 = tpu.memref_squeeze %dma_wait3A_329 : memref<1x1x1x8x128xf32, #tpu.memory_space<hbm>> -> memref<8x128xf32, #tpu.memory_space<hbm>>
        %dma_wait3A_331 = arith.constant 8 : i32
        %dma_wait3A_332 = arith.constant 0 : i32
        %dma_wait3A_333 = tpu.memref_slice %arg8[%dma_wait3A_314, %dma_wait3A_331, %dma_wait3A_332] : memref<2x32x128xf32, #tpu.memory_space<vmem>> -> memref<1x8x128xf32, #tpu.memory_space<vmem>>
        %dma_wait3A_334 = tpu.memref_squeeze %dma_wait3A_333 : memref<1x8x128xf32, #tpu.memory_space<vmem>> -> memref<8x128xf32, #tpu.memory_space<vmem>>
        tpu.wait_dma2 semaphore(%dma_wait3A_326 : memref<!tpu.dma_semaphore, #tpu.memory_space<semaphore_mem>>) src(%dma_wait3A_334 : memref<8x128xf32, #tpu.memory_space<vmem>>) dst(%dma_wait3A_330 : memref<8x128xf32, #tpu.memory_space<hbm>>)
        %dma_wait3A_335 = arith.constant 0 : i32
        %dma_wait3A_336 = arith.constant 2 : i32
        %dma_wait3A_337 = arith.constant 0 : i32
        %dma_wait3A_338 = arith.constant 16 : i32
        %dma_wait3A_339 = arith.constant 0 : i32
        %dma_wait3A_340 = tpu.memref_slice %arg8[%dma_wait3A_335, %dma_wait3A_338, %dma_wait3A_339] : memref<2x32x128xf32, #tpu.memory_space<vmem>> -> memref<1x8x128xf32, #tpu.memory_space<vmem>>
        %dma_wait3A_341 = tpu.memref_squeeze %dma_wait3A_340 : memref<1x8x128xf32, #tpu.memory_space<vmem>> -> memref<8x128xf32, #tpu.memory_space<vmem>>
        %dma_wait3A_342 = arith.constant 0 : i32
        %dma_wait3A_343 = arith.constant 0 : i32
        %dma_wait3A_344 = tpu.memref_slice %arg4[%add3A_292, %dma_wait3A_336, %add3A_33, %dma_wait3A_342, %dma_wait3A_343] : memref<50x4x128x8x128xf32, #tpu.memory_space<hbm>> -> memref<1x1x1x8x128xf32, #tpu.memory_space<hbm>>
        %dma_wait3A_345 = tpu.memref_squeeze %dma_wait3A_344 : memref<1x1x1x8x128xf32, #tpu.memory_space<hbm>> -> memref<8x128xf32, #tpu.memory_space<hbm>>
        %dma_wait3A_346 = tpu.memref_slice %arg10[%dma_wait3A_337] : memref<2x!tpu.dma_semaphore, #tpu.memory_space<semaphore_mem>> -> memref<1x!tpu.dma_semaphore, #tpu.memory_space<semaphore_mem>>
        %dma_wait3A_347 = tpu.memref_squeeze %dma_wait3A_346 : memref<1x!tpu.dma_semaphore, #tpu.memory_space<semaphore_mem>> -> memref<!tpu.dma_semaphore, #tpu.memory_space<semaphore_mem>>
        %dma_wait3A_348 = arith.constant 0 : i32
        %dma_wait3A_349 = arith.constant 0 : i32
        %dma_wait3A_350 = tpu.memref_slice %arg4[%add3A_292, %dma_wait3A_336, %add3A_33, %dma_wait3A_348, %dma_wait3A_349] : memref<50x4x128x8x128xf32, #tpu.memory_space<hbm>> -> memref<1x1x1x8x128xf32, #tpu.memory_space<hbm>>
        %dma_wait3A_351 = tpu.memref_squeeze %dma_wait3A_350 : memref<1x1x1x8x128xf32, #tpu.memory_space<hbm>> -> memref<8x128xf32, #tpu.memory_space<hbm>>
        %dma_wait3A_352 = arith.constant 16 : i32
        %dma_wait3A_353 = arith.constant 0 : i32
        %dma_wait3A_354 = tpu.memref_slice %arg8[%dma_wait3A_335, %dma_wait3A_352, %dma_wait3A_353] : memref<2x32x128xf32, #tpu.memory_space<vmem>> -> memref<1x8x128xf32, #tpu.memory_space<vmem>>
        %dma_wait3A_355 = tpu.memref_squeeze %dma_wait3A_354 : memref<1x8x128xf32, #tpu.memory_space<vmem>> -> memref<8x128xf32, #tpu.memory_space<vmem>>
        tpu.wait_dma2 semaphore(%dma_wait3A_347 : memref<!tpu.dma_semaphore, #tpu.memory_space<semaphore_mem>>) src(%dma_wait3A_355 : memref<8x128xf32, #tpu.memory_space<vmem>>) dst(%dma_wait3A_351 : memref<8x128xf32, #tpu.memory_space<hbm>>)
        %dma_wait3A_356 = arith.constant 0 : i32
        %dma_wait3A_357 = arith.constant 3 : i32
        %dma_wait3A_358 = arith.constant 0 : i32
        %dma_wait3A_359 = arith.constant 24 : i32
        %dma_wait3A_360 = arith.constant 0 : i32
        %dma_wait3A_361 = tpu.memref_slice %arg8[%dma_wait3A_356, %dma_wait3A_359, %dma_wait3A_360] : memref<2x32x128xf32, #tpu.memory_space<vmem>> -> memref<1x8x128xf32, #tpu.memory_space<vmem>>
        %dma_wait3A_362 = tpu.memref_squeeze %dma_wait3A_361 : memref<1x8x128xf32, #tpu.memory_space<vmem>> -> memref<8x128xf32, #tpu.memory_space<vmem>>
        %dma_wait3A_363 = arith.constant 0 : i32
        %dma_wait3A_364 = arith.constant 0 : i32
        %dma_wait3A_365 = tpu.memref_slice %arg4[%add3A_292, %dma_wait3A_357, %add3A_33, %dma_wait3A_363, %dma_wait3A_364] : memref<50x4x128x8x128xf32, #tpu.memory_space<hbm>> -> memref<1x1x1x8x128xf32, #tpu.memory_space<hbm>>
        %dma_wait3A_366 = tpu.memref_squeeze %dma_wait3A_365 : memref<1x1x1x8x128xf32, #tpu.memory_space<hbm>> -> memref<8x128xf32, #tpu.memory_space<hbm>>
        %dma_wait3A_367 = tpu.memref_slice %arg10[%dma_wait3A_358] : memref<2x!tpu.dma_semaphore, #tpu.memory_space<semaphore_mem>> -> memref<1x!tpu.dma_semaphore, #tpu.memory_space<semaphore_mem>>
        %dma_wait3A_368 = tpu.memref_squeeze %dma_wait3A_367 : memref<1x!tpu.dma_semaphore, #tpu.memory_space<semaphore_mem>> -> memref<!tpu.dma_semaphore, #tpu.memory_space<semaphore_mem>>
        %dma_wait3A_369 = arith.constant 0 : i32
        %dma_wait3A_370 = arith.constant 0 : i32
        %dma_wait3A_371 = tpu.memref_slice %arg4[%add3A_292, %dma_wait3A_357, %add3A_33, %dma_wait3A_369, %dma_wait3A_370] : memref<50x4x128x8x128xf32, #tpu.memory_space<hbm>> -> memref<1x1x1x8x128xf32, #tpu.memory_space<hbm>>
        %dma_wait3A_372 = tpu.memref_squeeze %dma_wait3A_371 : memref<1x1x1x8x128xf32, #tpu.memory_space<hbm>> -> memref<8x128xf32, #tpu.memory_space<hbm>>
        %dma_wait3A_373 = arith.constant 24 : i32
        %dma_wait3A_374 = arith.constant 0 : i32
        %dma_wait3A_375 = tpu.memref_slice %arg8[%dma_wait3A_356, %dma_wait3A_373, %dma_wait3A_374] : memref<2x32x128xf32, #tpu.memory_space<vmem>> -> memref<1x8x128xf32, #tpu.memory_space<vmem>>
        %dma_wait3A_376 = tpu.memref_squeeze %dma_wait3A_375 : memref<1x8x128xf32, #tpu.memory_space<vmem>> -> memref<8x128xf32, #tpu.memory_space<vmem>>
        tpu.wait_dma2 semaphore(%dma_wait3A_368 : memref<!tpu.dma_semaphore, #tpu.memory_space<semaphore_mem>>) src(%dma_wait3A_376 : memref<8x128xf32, #tpu.memory_space<vmem>>) dst(%dma_wait3A_372 : memref<8x128xf32, #tpu.memory_space<hbm>>)
        %mul3A_377 = arith.constant 2 : i32
        %mul3A_378 = arith.muli %scan3A_44, %mul3A_377 : i32
        %add3A_379 = arith.constant 1 : i32
        %add3A_380 = arith.addi %mul3A_378, %add3A_379 : i32
        %dma_wait3A_381 = arith.constant 1 : i32
        %dma_wait3A_382 = arith.constant 0 : i32
        %dma_wait3A_383 = arith.constant 1 : i32
        %dma_wait3A_384 = arith.constant 0 : i32
        %dma_wait3A_385 = arith.constant 0 : i32
        %dma_wait3A_386 = tpu.memref_slice %arg8[%dma_wait3A_381, %dma_wait3A_384, %dma_wait3A_385] : memref<2x32x128xf32, #tpu.memory_space<vmem>> -> memref<1x8x128xf32, #tpu.memory_space<vmem>>
        %dma_wait3A_387 = tpu.memref_squeeze %dma_wait3A_386 : memref<1x8x128xf32, #tpu.memory_space<vmem>> -> memref<8x128xf32, #tpu.memory_space<vmem>>
        %dma_wait3A_388 = arith.constant 0 : i32
        %dma_wait3A_389 = arith.constant 0 : i32
        %dma_wait3A_390 = tpu.memref_slice %arg4[%add3A_380, %dma_wait3A_382, %add3A_33, %dma_wait3A_388, %dma_wait3A_389] : memref<50x4x128x8x128xf32, #tpu.memory_space<hbm>> -> memref<1x1x1x8x128xf32, #tpu.memory_space<hbm>>
        %dma_wait3A_391 = tpu.memref_squeeze %dma_wait3A_390 : memref<1x1x1x8x128xf32, #tpu.memory_space<hbm>> -> memref<8x128xf32, #tpu.memory_space<hbm>>
        %dma_wait3A_392 = tpu.memref_slice %arg10[%dma_wait3A_383] : memref<2x!tpu.dma_semaphore, #tpu.memory_space<semaphore_mem>> -> memref<1x!tpu.dma_semaphore, #tpu.memory_space<semaphore_mem>>
        %dma_wait3A_393 = tpu.memref_squeeze %dma_wait3A_392 : memref<1x!tpu.dma_semaphore, #tpu.memory_space<semaphore_mem>> -> memref<!tpu.dma_semaphore, #tpu.memory_space<semaphore_mem>>
        %dma_wait3A_394 = arith.constant 0 : i32
        %dma_wait3A_395 = arith.constant 0 : i32
        %dma_wait3A_396 = tpu.memref_slice %arg4[%add3A_380, %dma_wait3A_382, %add3A_33, %dma_wait3A_394, %dma_wait3A_395] : memref<50x4x128x8x128xf32, #tpu.memory_space<hbm>> -> memref<1x1x1x8x128xf32, #tpu.memory_space<hbm>>
        %dma_wait3A_397 = tpu.memref_squeeze %dma_wait3A_396 : memref<1x1x1x8x128xf32, #tpu.memory_space<hbm>> -> memref<8x128xf32, #tpu.memory_space<hbm>>
        %dma_wait3A_398 = arith.constant 0 : i32
        %dma_wait3A_399 = arith.constant 0 : i32
        %dma_wait3A_400 = tpu.memref_slice %arg8[%dma_wait3A_381, %dma_wait3A_398, %dma_wait3A_399] : memref<2x32x128xf32, #tpu.memory_space<vmem>> -> memref<1x8x128xf32, #tpu.memory_space<vmem>>
        %dma_wait3A_401 = tpu.memref_squeeze %dma_wait3A_400 : memref<1x8x128xf32, #tpu.memory_space<vmem>> -> memref<8x128xf32, #tpu.memory_space<vmem>>
        tpu.wait_dma2 semaphore(%dma_wait3A_393 : memref<!tpu.dma_semaphore, #tpu.memory_space<semaphore_mem>>) src(%dma_wait3A_401 : memref<8x128xf32, #tpu.memory_space<vmem>>) dst(%dma_wait3A_397 : memref<8x128xf32, #tpu.memory_space<hbm>>)
        %dma_wait3A_402 = arith.constant 1 : i32
        %dma_wait3A_403 = arith.constant 1 : i32
        %dma_wait3A_404 = arith.constant 1 : i32
        %dma_wait3A_405 = arith.constant 8 : i32
        %dma_wait3A_406 = arith.constant 0 : i32
        %dma_wait3A_407 = tpu.memref_slice %arg8[%dma_wait3A_402, %dma_wait3A_405, %dma_wait3A_406] : memref<2x32x128xf32, #tpu.memory_space<vmem>> -> memref<1x8x128xf32, #tpu.memory_space<vmem>>
        %dma_wait3A_408 = tpu.memref_squeeze %dma_wait3A_407 : memref<1x8x128xf32, #tpu.memory_space<vmem>> -> memref<8x128xf32, #tpu.memory_space<vmem>>
        %dma_wait3A_409 = arith.constant 0 : i32
        %dma_wait3A_410 = arith.constant 0 : i32
        %dma_wait3A_411 = tpu.memref_slice %arg4[%add3A_380, %dma_wait3A_403, %add3A_33, %dma_wait3A_409, %dma_wait3A_410] : memref<50x4x128x8x128xf32, #tpu.memory_space<hbm>> -> memref<1x1x1x8x128xf32, #tpu.memory_space<hbm>>
        %dma_wait3A_412 = tpu.memref_squeeze %dma_wait3A_411 : memref<1x1x1x8x128xf32, #tpu.memory_space<hbm>> -> memref<8x128xf32, #tpu.memory_space<hbm>>
        %dma_wait3A_413 = tpu.memref_slice %arg10[%dma_wait3A_404] : memref<2x!tpu.dma_semaphore, #tpu.memory_space<semaphore_mem>> -> memref<1x!tpu.dma_semaphore, #tpu.memory_space<semaphore_mem>>
        %dma_wait3A_414 = tpu.memref_squeeze %dma_wait3A_413 : memref<1x!tpu.dma_semaphore, #tpu.memory_space<semaphore_mem>> -> memref<!tpu.dma_semaphore, #tpu.memory_space<semaphore_mem>>
        %dma_wait3A_415 = arith.constant 0 : i32
        %dma_wait3A_416 = arith.constant 0 : i32
        %dma_wait3A_417 = tpu.memref_slice %arg4[%add3A_380, %dma_wait3A_403, %add3A_33, %dma_wait3A_415, %dma_wait3A_416] : memref<50x4x128x8x128xf32, #tpu.memory_space<hbm>> -> memref<1x1x1x8x128xf32, #tpu.memory_space<hbm>>
        %dma_wait3A_418 = tpu.memref_squeeze %dma_wait3A_417 : memref<1x1x1x8x128xf32, #tpu.memory_space<hbm>> -> memref<8x128xf32, #tpu.memory_space<hbm>>
        %dma_wait3A_419 = arith.constant 8 : i32
        %dma_wait3A_420 = arith.constant 0 : i32
        %dma_wait3A_421 = tpu.memref_slice %arg8[%dma_wait3A_402, %dma_wait3A_419, %dma_wait3A_420] : memref<2x32x128xf32, #tpu.memory_space<vmem>> -> memref<1x8x128xf32, #tpu.memory_space<vmem>>
        %dma_wait3A_422 = tpu.memref_squeeze %dma_wait3A_421 : memref<1x8x128xf32, #tpu.memory_space<vmem>> -> memref<8x128xf32, #tpu.memory_space<vmem>>
        tpu.wait_dma2 semaphore(%dma_wait3A_414 : memref<!tpu.dma_semaphore, #tpu.memory_space<semaphore_mem>>) src(%dma_wait3A_422 : memref<8x128xf32, #tpu.memory_space<vmem>>) dst(%dma_wait3A_418 : memref<8x128xf32, #tpu.memory_space<hbm>>)
        %dma_wait3A_423 = arith.constant 1 : i32
        %dma_wait3A_424 = arith.constant 2 : i32
        %dma_wait3A_425 = arith.constant 1 : i32
        %dma_wait3A_426 = arith.constant 16 : i32
        %dma_wait3A_427 = arith.constant 0 : i32
        %dma_wait3A_428 = tpu.memref_slice %arg8[%dma_wait3A_423, %dma_wait3A_426, %dma_wait3A_427] : memref<2x32x128xf32, #tpu.memory_space<vmem>> -> memref<1x8x128xf32, #tpu.memory_space<vmem>>
        %dma_wait3A_429 = tpu.memref_squeeze %dma_wait3A_428 : memref<1x8x128xf32, #tpu.memory_space<vmem>> -> memref<8x128xf32, #tpu.memory_space<vmem>>
        %dma_wait3A_430 = arith.constant 0 : i32
        %dma_wait3A_431 = arith.constant 0 : i32
        %dma_wait3A_432 = tpu.memref_slice %arg4[%add3A_380, %dma_wait3A_424, %add3A_33, %dma_wait3A_430, %dma_wait3A_431] : memref<50x4x128x8x128xf32, #tpu.memory_space<hbm>> -> memref<1x1x1x8x128xf32, #tpu.memory_space<hbm>>
        %dma_wait3A_433 = tpu.memref_squeeze %dma_wait3A_432 : memref<1x1x1x8x128xf32, #tpu.memory_space<hbm>> -> memref<8x128xf32, #tpu.memory_space<hbm>>
        %dma_wait3A_434 = tpu.memref_slice %arg10[%dma_wait3A_425] : memref<2x!tpu.dma_semaphore, #tpu.memory_space<semaphore_mem>> -> memref<1x!tpu.dma_semaphore, #tpu.memory_space<semaphore_mem>>
        %dma_wait3A_435 = tpu.memref_squeeze %dma_wait3A_434 : memref<1x!tpu.dma_semaphore, #tpu.memory_space<semaphore_mem>> -> memref<!tpu.dma_semaphore, #tpu.memory_space<semaphore_mem>>
        %dma_wait3A_436 = arith.constant 0 : i32
        %dma_wait3A_437 = arith.constant 0 : i32
        %dma_wait3A_438 = tpu.memref_slice %arg4[%add3A_380, %dma_wait3A_424, %add3A_33, %dma_wait3A_436, %dma_wait3A_437] : memref<50x4x128x8x128xf32, #tpu.memory_space<hbm>> -> memref<1x1x1x8x128xf32, #tpu.memory_space<hbm>>
        %dma_wait3A_439 = tpu.memref_squeeze %dma_wait3A_438 : memref<1x1x1x8x128xf32, #tpu.memory_space<hbm>> -> memref<8x128xf32, #tpu.memory_space<hbm>>
        %dma_wait3A_440 = arith.constant 16 : i32
        %dma_wait3A_441 = arith.constant 0 : i32
        %dma_wait3A_442 = tpu.memref_slice %arg8[%dma_wait3A_423, %dma_wait3A_440, %dma_wait3A_441] : memref<2x32x128xf32, #tpu.memory_space<vmem>> -> memref<1x8x128xf32, #tpu.memory_space<vmem>>
        %dma_wait3A_443 = tpu.memref_squeeze %dma_wait3A_442 : memref<1x8x128xf32, #tpu.memory_space<vmem>> -> memref<8x128xf32, #tpu.memory_space<vmem>>
        tpu.wait_dma2 semaphore(%dma_wait3A_435 : memref<!tpu.dma_semaphore, #tpu.memory_space<semaphore_mem>>) src(%dma_wait3A_443 : memref<8x128xf32, #tpu.memory_space<vmem>>) dst(%dma_wait3A_439 : memref<8x128xf32, #tpu.memory_space<hbm>>)
        %dma_wait3A_444 = arith.constant 1 : i32
        %dma_wait3A_445 = arith.constant 3 : i32
        %dma_wait3A_446 = arith.constant 1 : i32
        %dma_wait3A_447 = arith.constant 24 : i32
        %dma_wait3A_448 = arith.constant 0 : i32
        %dma_wait3A_449 = tpu.memref_slice %arg8[%dma_wait3A_444, %dma_wait3A_447, %dma_wait3A_448] : memref<2x32x128xf32, #tpu.memory_space<vmem>> -> memref<1x8x128xf32, #tpu.memory_space<vmem>>
        %dma_wait3A_450 = tpu.memref_squeeze %dma_wait3A_449 : memref<1x8x128xf32, #tpu.memory_space<vmem>> -> memref<8x128xf32, #tpu.memory_space<vmem>>
        %dma_wait3A_451 = arith.constant 0 : i32
        %dma_wait3A_452 = arith.constant 0 : i32
        %dma_wait3A_453 = tpu.memref_slice %arg4[%add3A_380, %dma_wait3A_445, %add3A_33, %dma_wait3A_451, %dma_wait3A_452] : memref<50x4x128x8x128xf32, #tpu.memory_space<hbm>> -> memref<1x1x1x8x128xf32, #tpu.memory_space<hbm>>
        %dma_wait3A_454 = tpu.memref_squeeze %dma_wait3A_453 : memref<1x1x1x8x128xf32, #tpu.memory_space<hbm>> -> memref<8x128xf32, #tpu.memory_space<hbm>>
        %dma_wait3A_455 = tpu.memref_slice %arg10[%dma_wait3A_446] : memref<2x!tpu.dma_semaphore, #tpu.memory_space<semaphore_mem>> -> memref<1x!tpu.dma_semaphore, #tpu.memory_space<semaphore_mem>>
        %dma_wait3A_456 = tpu.memref_squeeze %dma_wait3A_455 : memref<1x!tpu.dma_semaphore, #tpu.memory_space<semaphore_mem>> -> memref<!tpu.dma_semaphore, #tpu.memory_space<semaphore_mem>>
        %dma_wait3A_457 = arith.constant 0 : i32
        %dma_wait3A_458 = arith.constant 0 : i32
        %dma_wait3A_459 = tpu.memref_slice %arg4[%add3A_380, %dma_wait3A_445, %add3A_33, %dma_wait3A_457, %dma_wait3A_458] : memref<50x4x128x8x128xf32, #tpu.memory_space<hbm>> -> memref<1x1x1x8x128xf32, #tpu.memory_space<hbm>>
        %dma_wait3A_460 = tpu.memref_squeeze %dma_wait3A_459 : memref<1x1x1x8x128xf32, #tpu.memory_space<hbm>> -> memref<8x128xf32, #tpu.memory_space<hbm>>
        %dma_wait3A_461 = arith.constant 24 : i32
        %dma_wait3A_462 = arith.constant 0 : i32
        %dma_wait3A_463 = tpu.memref_slice %arg8[%dma_wait3A_444, %dma_wait3A_461, %dma_wait3A_462] : memref<2x32x128xf32, #tpu.memory_space<vmem>> -> memref<1x8x128xf32, #tpu.memory_space<vmem>>
        %dma_wait3A_464 = tpu.memref_squeeze %dma_wait3A_463 : memref<1x8x128xf32, #tpu.memory_space<vmem>> -> memref<8x128xf32, #tpu.memory_space<vmem>>
        tpu.wait_dma2 semaphore(%dma_wait3A_456 : memref<!tpu.dma_semaphore, #tpu.memory_space<semaphore_mem>>) src(%dma_wait3A_464 : memref<8x128xf32, #tpu.memory_space<vmem>>) dst(%dma_wait3A_460 : memref<8x128xf32, #tpu.memory_space<hbm>>)
      }
      %scan3A_43 = arith.constant 25 : i32
    }
    %scan3A_29 = arith.constant 4 : i32
    return
  }
}

</mosaic_0001>

<sc_bundles>
// kernel: kernel.3.cloned.1.call-start
scs
__scs_entry_jumppad:
0x0: {  	(pc) =	sbr.rel $0x88, $3  }
0x1: {  	(tag) =	ssettag $0x0;
	lr =	simm.s32 $0x1  }
0x2: {  	[smem:$0x3F9F] =	sst lr;
	_ =	strace $0xD0000000  }
0x3: {  	_ = 	snop  }
0x4: {  	_ = 	snop  }
0x5: {  	_ = 	snop  }
0x6: {  	_ = 	snop  }
0x7: {  	_ = 	snop  }
__scs_overlays_trampoline_lowered:
0x8: {  	[smem:$0x3FAE] =	sst s0  }
0x9: {  	[smem:$0x3FAF] =	sst s1  }
0xa: {  	[smem:$0x3FB0] =	sst s2  }
0xb: {  	[smem:$0x3FB1] =	sst s3  }
0xc: {  	[smem:$0x3FB2] =	sst s4  }
0xd: {  	[smem:$0x3FB3] =	sst s5  }
0xe: {  	[smem:$0x3FB4] =	sst s6  }
0xf: {  	[smem:$0x3FB5] =	sst s7  }
0x10: {  	[smem:$0x3FB6] =	sst s8  }
0x11: {  	[smem:$0x3FB7] =	sst s9;
	s0 =	simm.s32 @!p0 $0x0  }
0x12: {  	s1 =	sld [smem:$0x3F9D];
	s0 =	simm.s32 @p0 $0x1  }
0x13: {  	[smem:$0x3FB8] =	sst s0;
	s0 =	simm.s32 @!p1 $0x0  }
0x14: {  	s2 =	sld [smem:$0x3F9C];
	s0 =	simm.s32 @p1 $0x1  }
0x15: {  	[smem:$0x3FB9] =	sst s0;
	s0 =	simm.s32 @!p2 $0x0  }
0x16: {  	s3 =	sld [smem:$0x3FDB];
	s0 =	simm.s32 @p2 $0x1  }
0x17: {  	s4 =	simm.s32 $0x1BF5;
	[smem:$0x3FBB] =	sst s0  }
0x18: {  	s0 =	sld [smem:$0x3F9E];
	_ =	swait.ge [sflag:s4], $0x0  }
0x19: {  	s7 =	sld [smem:$0x3F9F]  }
0x1a: {  	s8 =	sadd.s32 $0xFFFFE003, lr  }
0x1b: {  	s9 =	sadd.s32 $0xFFFFFEF7, lr;
	s5 =	simm.s32 $0xFFFFFFFF;
	p2 =	slt.u32 s8, $0xFFFFF086  }
0x1c: {  	p1 =	slt.u32 s9, $0xF7A;
	s5 =	simm.s32 @!p2 $0x0  }
0x1d: {  	s5 =	simm.s32 @p1 $0x1;
	p0 =	seq.s32 s7, s2  }
0x1e: {  	s7 =	smul.u32 @!p0 $0xF7A, s2;
	p2 =	seq.s32 @!p0 s5, $0x0  }
0x1f: {  	s9 =	smul.u32 $0xF7A, s1;
	s8 =	simm.s32 @!p0 $0x1BF5;
	p2 =	por !p2, p0  }
0x20: {  	[sflag:s8] =	ssyncset.s32 @!p0 $0xFFFFF086;
	s6 =	sadd.s32 @!p0 s3, s7;
	s7 =	simm.s32 @!p0 $0x108  }
0x21: {  	s3 =	sadd.s32 s3, s9;
	s6 =	sadd.s32 @!p0 $0x88, s6;
	s7 =	simm.s32 @p2 $0x1082  }
0x22: {  	[simem:s7], [sflag:s8] =	dma.local @!p0 [hbm:s6], $0xF7A  }
0x23: {  	s9 =	sor.u32 $0xD0000000, s2;
	s6 =	simm.s32 $0x108;
	_ =	swait.ge @!p0 [sflag:s8], $0x0  }
0x24: {  	s3 =	sadd.s32 $0x88, s3;
	s6 =	simm.s32 @!p1 $0x1082;
	[sflag:s4] =	ssyncset.s32 $0xFFFFF086  }
0x25: {  	[simem:s6], [sflag:s4] =	dma.local [hbm:s3], $0xF7A  }
0x26: {  	[smem:$0x3F9F] =	sst s1;
	(tag) =	ssettag s2;
	_ =	strace s9  }
0x27: {  	s1 =	sld [smem:$0x3FAF]  }
0x28: {  	s2 =	sld [smem:$0x3FB0]  }
0x29: {  	s4 =	sld [smem:$0x3FB2]  }
0x2a: {  	p0 =	seq.s32 s5, $0x0;
	s5 =	sld [smem:$0x3FB3]  }
0x2b: {  	s6 =	sld [smem:$0x3FB4]  }
0x2c: {  	s7 =	sld [smem:$0x3FB5]  }
0x2d: {  	s3 =	simm.s32 $0x108;
	s8 =	sld [smem:$0x3FB6]  }
0x2e: {  	s3 =	simm.s32 @!p0 $0x1082;
	s9 =	sld [smem:$0x3FB7]  }
0x2f: {  	lr =	sadd.s32 s0, s3;
	s0 =	sld [smem:$0x3FAE]  }
0x30: {  	s3 =	sld [smem:$0x3FB1]  }
0x31: {  	[smem:$0x3FBA] =	sst s10  }
0x32: {  	s10 =	sld [smem:$0x3FB8];
	_ =	sdelay $0x3  }
0x33: {  	p0 =	seq.s32 s10, $0x1;
	s10 =	sld [smem:$0x3FBA];
	_ =	sdelay $0x3  }
0x34: {  	[smem:$0x3FBA] =	sst s10  }
0x35: {  	s10 =	sld [smem:$0x3FB9];
	_ =	sdelay $0x3  }
0x36: {  	p1 =	seq.s32 s10, $0x1;
	s10 =	sld [smem:$0x3FBA];
	_ =	sdelay $0x3  }
0x37: {  	[smem:$0x3FBA] =	sst s10  }
0x38: {  	s10 =	sld [smem:$0x3FBB]  }
0x39: {  	_ = 	snop;
	(pc) =	sbr.ind lr, $3  }
0x3a: {  	_ = 	snop  }
0x3b: {  	_ = 	snop  }
0x3c: {  	p2 =	seq.s32 s10, $0x1;
	s10 =	sld [smem:$0x3FBA]  }
0x3d: {  	_ =	shalt  }
0x3e: {  	_ =	shalt  }
0x3f: {  	_ =	shalt  }
0x40: {  	_ =	shalt  }
0x41: {  	_ =	shalt  }
0x42: {  	_ =	shalt  }
0x43: {  	_ =	shalt  }
0x44: {  	_ =	shalt  }
0x45: {  	_ =	shalt  }
0x46: {  	_ =	shalt  }
0x47: {  	_ =	shalt  }
0x48: {  	_ =	shalt  }
0x49: {  	_ =	shalt  }
0x4a: {  	_ =	shalt  }
0x4b: {  	_ =	shalt  }
0x4c: {  	_ =	shalt  }
0x4d: {  	_ =	shalt  }
0x4e: {  	_ =	shalt  }
0x4f: {  	_ =	shalt  }
0x50: {  	_ =	shalt  }
0x51: {  	_ =	shalt  }
0x52: {  	_ =	shalt  }
0x53: {  	_ =	shalt  }
0x54: {  	_ =	shalt  }
0x55: {  	_ =	shalt  }
0x56: {  	_ =	shalt  }
0x57: {  	_ =	shalt  }
0x58: {  	_ =	shalt  }
0x59: {  	_ =	shalt  }
0x5a: {  	_ =	shalt  }
0x5b: {  	_ =	shalt  }
0x5c: {  	_ =	shalt  }
0x5d: {  	_ =	shalt  }
0x5e: {  	_ =	shalt  }
0x5f: {  	_ =	shalt  }
0x60: {  	_ =	shalt  }
0x61: {  	_ =	shalt  }
0x62: {  	_ =	shalt  }
0x63: {  	_ =	shalt  }
0x64: {  	_ =	shalt  }
0x65: {  	_ =	shalt  }
0x66: {  	_ =	shalt  }
0x67: {  	_ =	shalt  }
0x68: {  	_ =	shalt  }
0x69: {  	_ =	shalt  }
0x6a: {  	_ =	shalt  }
0x6b: {  	_ =	shalt  }
0x6c: {  	_ =	shalt  }
0x6d: {  	_ =	shalt  }
0x6e: {  	_ =	shalt  }
0x6f: {  	_ =	shalt  }
0x70: {  	_ =	shalt  }
0x71: {  	_ =	shalt  }
0x72: {  	_ =	shalt  }
0x73: {  	_ =	shalt  }
0x74: {  	_ =	shalt  }
0x75: {  	_ =	shalt  }
0x76: {  	_ =	shalt  }
0x77: {  	_ =	shalt  }
0x78: {  	_ =	shalt  }
0x79: {  	_ =	shalt  }
0x7a: {  	_ =	shalt  }
0x7b: {  	_ =	shalt  }
0x7c: {  	_ =	shalt  }
0x7d: {  	_ =	shalt  }
0x7e: {  	_ =	shalt  }
0x7f: {  	_ =	shalt  }
0x80: {  	_ =	shalt  }
0x81: {  	_ =	shalt  }
0x82: {  	_ =	shalt  }
0x83: {  	_ =	shalt  }
0x84: {  	_ =	shalt  }
0x85: {  	_ =	shalt  }
0x86: {  	_ =	shalt  }
0x87: {  	_ =	shalt  }
.Lfunc_end0:
.L_simem_size_0:
called_computation_lowered:
.L_overlay_start_0:
0x88: {  	s2 =	sld [smem:$0x3FD9]  }
0x89: {  	s3 =	sld [smem:$0x3FFE];
	_ =	sdelay $0x1  }
0x8a: {  	s1 =	srdreg.scid  }
0x8b: {  	s0 =	sand.u32 $0x1, s1  }
0x8c: {  	s17 =	sshll.u32 s0, $0xA;
	s2 =	sadd.s32 s3, s2  }
0x8d: {  	s2 =	sadd.s32 s2, s17  }
0x8e: {  	[smem:$0x3FC6] =	sst s2  }
0x8f: {  	_ = 	snop  }
0x90: {  	s2 =	sld [smem:$0x3FD0];
	(tm) =	ssettm $0x1  }
0x91: {  	s18 =	sld [smem:$0x3FFB];
	_ =	sdelay $0x3  }
0x92: {  	_ =	strace s18  }
0x93: {  	s3 =	sld [smem:$0x3FFC];
	_ =	sdelay $0x3  }
0x94: {  	_ =	strace s3  }
0x95: {  	s3 =	sld [smem:$0x3FFD];
	_ =	sdelay $0x3  }
0x96: {  	_ =	strace s3  }
0x97: {  	_ =	strace $0x8FFFFFFF  }
0x98: {  	s19 =	sld [smem:$0x3FDB];
	_ =	sdelay $0x1  }
0x99: {  	s4 =	simm.s32 $_scs_section_size  }
0x9a: {  	s5 =	simm.s32 $_size__tile_overlayer_lowered;
	s6 =	simm.s32 $_tile_overlayer_lowered  }
0x9b: {  	s22 =	simm.s32 $0x1BFF;
	s21 =	sshll.u32 s6, $0x1;
	s3 =	sadd.s32 s4, s19  }
0x9c: {  	s7 =	simm.s32 $0x0;
	s20 =	sshll.u32 s5, $0x1;
	s5 =	sadd.s32 s21, s3  }
0x9d: {  	[timem:s7], [sflag:s22] =	dma.local [hbm:s5], s20  }
0x9e: {  	_ =	swait.ge [sflag:s22], s20  }
0x9f: {  	s4 =	ssub.s32 $0x0, s20;
	[sflag:s22] =	ssyncset.done $0x0  }
0xa0: {  	[sflag:s22] =	ssyncadd.s32 s4;
	_ =	sdelay $0x1  }
0xa1: {  	s23 =	simm.s32 $0x1B8B  }
0xa2: {  	_ =	swait.ge [sflag:s23], $0x1  }
0xa3: {  	[sflag:s23] =	ssyncset.done $0x0  }
0xa4: {  	s25 =	simm.s32 $0x1B8E;
	s24 =	sld [smem:$0x3FFE];
	[sflag:s23] =	ssyncadd.s32 $0xFFFFFFFF  }
0xa5: {  	s26 =	simm.s32 $execute0_lowered;
	[smem:$0x3FD2] =	sst s25  }
0xa6: {  	s5 =	sshll.u32 s26, $0x1;
	_ =	strace $0x80000046;
	[dreg:$0x1] =	wrdreg $0xFFFFFFFF  }
0xa7: {  	s28 =	simm.s32 $_size_execute0_lowered;
	s3 =	sadd.s32 s3, s5;
	[dreg:$0x0] =	wrdreg $0x0  }
0xa8: {  	s5 =	sshll.u32 s28, $0x1;
	[dreg:$0x2] =	wrdreg s3  }
0xa9: {  	[dreg:$0x3] =	wrdreg s5  }
0xaa: {  	[dreg:$0x4] =	wrdreg $0xC0  }
0xab: {  	_ =	task [dreg:s7], $0x5FFFF  }
0xac: {  	[dreg:$0x1] =	wrdreg $0xFFFFFFFF  }
0xad: {  	[dreg:$0x0] =	wrdreg $0x60  }
0xae: {  	[dreg:$0x2] =	wrdreg s24  }
0xaf: {  	[dreg:$0x3] =	wrdreg s2  }
0xb0: {  	[dreg:$0x4] =	wrdreg $0x9  }
0xb1: {  	_ =	task.clear_ibuf [dreg:s7], $0x5FFFF;
	_ =	strace $0x90000046  }
0xb2: {  	s29 =	simm.s32 $0x9;
	_ =	strace $0x80000048  }
0xb3: {  	_ =	swait.ge [sflag:s29], $0x1  }
0xb4: {  	[sflag:s29] =	ssyncadd.s32 $0xFFFFFFFF  }
0xb5: {  	_ =	strace $0x90000048  }
0xb6: {  	_ =	sfence  }
0xb7: {  	s30 =	sld [smem:$0x0];
	_ =	sdelay $0x2  }
0xb8: {  	s31 =	sshll.u32 s1, $0xD;
	s1 =	sshrl.u32 s1, $0x2  }
0xb9: {  	s3 =	sand.u32 $0x4000, s31;
	s1 =	sadd.s32 s1, s30  }
0xba: {  	s0 =	sor.u32 s3, s0;
	s1 =	sshll.u32 s1, $0x11  }
0xbb: {  	s0 =	sor.u32 s1, s0  }
0xbc: {  	s0 =	sadd.s32 $0x8F2B, s0  }
0xbd: {  	[sflag:s0] =	ssyncadd.remote.s32 $0x1  }
0xbe: {  	_ =	sfence.sel $0xFFFF  }
0xbf: {  	[dreg:$0x0] =	wrdreg $0xFFFFFFFF;
	(pc) =	sbr.abs _section_cstart, $3  }
0xc0: {  	[dreg:$0x1] =	wrdreg $0xFFFFFFFF  }
0xc1: {  	_ =	task.clear_ibuf [dreg:s7], $0x2FFFF;
	_ =	strace $0x9FFFFFFF  }
0xc2: {  	(tm) =	ssettm $0x7FFFFFFF  }
0xc3: {  	_ =	shalt  }
tec
execute0_lowered:
.L_overlay_start_1:
0x0: {  	(tag) =	ssettag $0x1  }
0x1: {  	s0 =	rddreg [dreg:$0x0]  }
0x2: {  	s1 =	rddreg [dreg:$0x1]  }
0x3: {  	s2 =	simm.s32 $0x0;
	s3 =	srdreg.scid;
	s5 =	stileid.u32  }
0x4: {  	s9 =	simm.s32 $0x80;
	s10 =	simm.s32 $0x3500;
	s11 =	simm.s32 $0x4500  }
0x5: {  	s12 =	simm.s32 $0x1;
	s13 =	simm.s32 $0x5500;
	s14 =	simm.s32 $0x5900  }
0x6: {  	v3 =	vlaneseq.u32;
	s15 =	simm.s32 $0x5D00;
	s16 =	simm.s32 $0x6100;
	s17 =	simm.s32 $0x2  }
0x7: {  	s18 =	simm.s32 $0x6500;
	s19 =	simm.s32 $0x6900;
	s20 =	simm.s32 $0x6D00;
	v0 =	vmul.u32 $0x38, v3  }
0x8: {  	s21 =	simm.s32 $0x7100;
	s22 =	simm.s32 $0x3;
	s3 =	sand.u32 $0x1, s3  }
0x9: {  	s23 =	simm.s32 $0x4;
	[smem:$0x7FF] =	sst s2;
	v3 =	vmul.u32 $0x20, v3;
	s6 =	ssub.s32 $0x2, s3;
	v1 =	vadd.s32 $0x380, v0;
	v2 =	vadd.s32 $0x700, v0  }
0xa: {  	s4 =	sadd.s32 $0x1D400, s0;
	s8 =	sshll.u32 s5, $0x3;
	s7 =	sshrl.u32 s6, $0x1;
	v4 =	vadd.s32 $0xA80, v0;
	v5 =	vadd.s32 $0xE00, v0;
	v6 =	vadd.s32 $0x1180, v0  }
0xb: {  	s5 =	sadd.s32 $0x1400, s0;
	s3 =	sshll.u32 s3, $0x2;
	v7 =	vadd.s32 $0x1500, v0;
	v8 =	vadd.s32 $0x1880, v0;
	v9 =	vor.u32 $0x200, v3;
	s31 =	ssub.s32 s6, s7  }
0xc: {  	_ =	strace $0x80000047;
	v10 =	vor.u32 $0x400, v3;
	v11 =	vor.u32 $0x600, v3;
	v12 =	vor.u32 $0x800, v3;
	s6 =	sor.u32 s3, s8;
	s0 =	smax.u32 s31, $0x1  }
0xd: {  	v13 =	vor.u32 $0xA00, v3;
	v14 =	vor.u32 $0xC00, v3;
	v15 =	vor.u32 $0xE00, v3;
	s8 =	simm.s32 $0x5;
	s3 =	simm.s32 $0x0;
	[dreg:$0x3] =	wrdreg s0  }
.LBB2_1:
0xe: {  	[dreg:$0x4] =	wrdreg s3;
	s25 =	simm.s32 $0x0  }
.LBB2_2:
0xf: {  	s26 =	sadd.s32 s6, s25;
	s31 =	simm.s32 $0x1  }
0x10: {  	s0 =	smul.u32 $0x380, s26;
	v16 =	vmov s31  }
0x11: {  	v23 =	vand.u32 $0x3F, v16  }
0x12: {  	s24 =	simm.s32 $0x0;
	s3 =	sadd.s32 s5, s0;
	v16 =	vadd.s32 v0, v23  }
0x13: {  	[tilespmem:s24], [sflag:$0x5] =	stream.linear.gather [hbm4b:s3+s24], $0x1C00, $0x38;
	[tilespmem:$0x7500] =	vst v63  }
0x14: {  	_ =	swait.ge [sflag:s8], $0x1C00  }
0x15: {  	[sflag:s8] =	ssyncset.done $0x0  }
0x16: {  	[sflag:s8] =	ssyncadd.s32 $0xFFFFE400  }
0x17: {  	v17 =	vmov s24;
	v16 =	vld.idx.msk [tilespmem:v16+s2+$0x0], $0xffff  }
0x18: {  	v22 =	vand.u32 $0x3E, v17;
	v17 =	vadd.s32 v1, v23  }
0x19: {  	v18 =	vadd.s32 v0, v22;
	_ =	sdelay $0x1  }
0x1a: {  	s28 =	simm.s32 $0x1C80  }
0x1b: {  	[tilespmem:s28+$0x0] =	vst v16  }
0x1c: {  	s7 =	simm.s32 $0x3;
	v17 =	vld.idx.msk [tilespmem:v17+s2+$0x0], $0xffff  }
0x1d: {  	v19 =	vadd.s32 v2, v23;
	v18 =	vld.idx.msk [tilespmem:v18+s2+$0x0], $0xffff;
	v16 =	vmov s7  }
0x1e: {  	v20 =	vadd.s32 v1, v22;
	v21 =	vand.u32 $0x3F, v16  }
0x1f: {  	s24 =	simm.s32 $0x2;
	v24 =	vadd.s32 v0, v21  }
0x20: {  	v16 =	vmov s24  }
0x21: {  	v16 =	vand.u32 $0x3E, v16;
	[tilespmem:s28+$0x10] =	vst v17  }
0x22: {  	[tilespmem:s28+$0xFFFFFF80] =	vst v18;
	v17 =	vadd.s32 v0, v16;
	v18 =	vld.idx.msk [tilespmem:v19+s2+$0x0], $0xffff  }
0x23: {  	v19 =	vld.idx.msk [tilespmem:v20+s2+$0x0], $0xffff;
	v20 =	vadd.s32 v4, v23  }
0x24: {  	v25 =	vadd.s32 v2, v22;
	v24 =	vld.idx.msk [tilespmem:v24+s2+$0x0], $0xffff  }
0x25: {  	v26 =	vadd.s32 v1, v21;
	_ =	sdelay $0x1  }
0x26: {  	v27 =	vld.idx.msk [tilespmem:v17+s2+$0x0], $0xffff;
	[tilespmem:s28+$0x20] =	vst v18  }
0x27: {  	s0 =	simm.s32 $0x1D80;
	[tilespmem:s28+$0xFFFFFF90] =	vst v19;
	v19 =	vadd.s32 v1, v16;
	v20 =	vld.idx.msk [tilespmem:v20+s2+$0x0], $0xffff  }
0x28: {  	s31 =	simm.s32 $0x5;
	[tilespmem:s0+$0x0] =	vst v24;
	v24 =	vadd.s32 v5, v23;
	v25 =	vld.idx.msk [tilespmem:v25+s2+$0x0], $0xffff  }
0x29: {  	v28 =	vadd.s32 v4, v22;
	s7 =	simm.s32 $0x4;
	v17 =	vmov s31;
	v26 =	vld.idx.msk [tilespmem:v26+s2+$0x0], $0xffff  }
0x2a: {  	v29 =	vadd.s32 v2, v21;
	v18 =	vmov s7;
	v17 =	vand.u32 $0x3F, v17  }
0x2b: {  	v18 =	vand.u32 $0x3E, v18;
	[tilespmem:s0+$0xFFFFFF80] =	vst v27;
	v27 =	vadd.s32 v0, v17  }
0x2c: {  	v30 =	vadd.s32 v0, v18;
	v19 =	vld.idx.msk [tilespmem:v19+s2+$0x0], $0xffff;
	[tilespmem:s28+$0x30] =	vst v20  }
0x2d: {  	[tilespmem:s28+$0xFFFFFFA0] =	vst v25;
	v20 =	vld.idx.msk [tilespmem:v24+s2+$0x0], $0xffff;
	v24 =	vadd.s32 v2, v16  }
0x2e: {  	[tilespmem:s0+$0x10] =	vst v26;
	v26 =	vadd.s32 v6, v23;
	v25 =	vld.idx.msk [tilespmem:v28+s2+$0x0], $0xffff  }
0x2f: {  	s7 =	simm.s32 $0x6;
	v28 =	vld.idx.msk [tilespmem:v29+s2+$0x0], $0xffff;
	v29 =	vadd.s32 v5, v22  }
0x30: {  	v31 =	vadd.s32 v4, v21;
	v32 =	vmov s7;
	v27 =	vld.idx.msk [tilespmem:v27+s2+$0x0], $0xffff  }
0x31: {  	v61 =	vadd.s32 v1, v17;
	v30 =	vld.idx.msk [tilespmem:v30+s2+$0x0], $0xffff;
	[tilespmem:s0+$0xFFFFFF90] =	vst v19;
	v19 =	vand.u32 $0x3E, v32  }
0x32: {  	v24 =	vld.idx.msk [tilespmem:v24+s2+$0x0], $0xffff;
	[tilespmem:s28+$0x40] =	vst v20;
	v20 =	vadd.s32 v0, v19  }
0x33: {  	[tilespmem:s28+$0xFFFFFFB0] =	vst v25;
	v25 =	vld.idx.msk [tilespmem:v26+s2+$0x0], $0xffff;
	v26 =	vadd.s32 v1, v18  }
0x34: {  	s29 =	simm.s32 $0x1E80;
	[tilespmem:s0+$0x20] =	vst v28;
	v28 =	vld.idx.msk [tilespmem:v29+s2+$0x0], $0xffff;
	v29 =	vadd.s32 v7, v23  }
0x35: {  	v31 =	vld.idx.msk [tilespmem:v31+s2+$0x0], $0xffff;
	[tilespmem:s29+$0x0] =	vst v27;
	v27 =	vadd.s32 v4, v16  }
0x36: {  	v33 =	vadd.s32 v5, v21;
	v32 =	vld.idx.msk [tilespmem:v61+s2+$0x0], $0xffff  }
0x37: {  	s24 =	simm.s32 $0x7;
	[tilespmem:s29+$0xFFFFFF80] =	vst v30;
	v36 =	vld.idx.msk [tilespmem:v20+s2+$0x0], $0xffff  }
0x38: {  	v30 =	vadd.s32 v6, v22;
	v20 =	vmov s24;
	v26 =	vld.idx.msk [tilespmem:v26+s2+$0x0], $0xffff;
	[tilespmem:s28+$0x50] =	vst v25  }
0x39: {  	v34 =	vadd.s32 v2, v17;
	[tilespmem:s0+$0xFFFFFFA0] =	vst v24;
	v20 =	vand.u32 $0x3F, v20;
	v24 =	vld.idx.msk [tilespmem:v29+s2+$0x0], $0xffff  }
0x3a: {  	[tilespmem:s0+$0x30] =	vst v31;
	v25 =	vadd.s32 v0, v20;
	v29 =	vld.idx.msk [tilespmem:v27+s2+$0x0], $0xffff  }
0x3b: {  	v31 =	vld.idx.msk [tilespmem:v33+s2+$0x0], $0xffff;
	v27 =	vadd.s32 v2, v18  }
0x3c: {  	v23 =	vadd.s32 v8, v23;
	[tilespmem:s28+$0xFFFFFFC0] =	vst v28  }
0x3d: {  	v28 =	vld.idx.msk [tilespmem:v30+s2+$0x0], $0xffff;
	v30 =	vadd.s32 v6, v21;
	[tilespmem:s29+$0x10] =	vst v32  }
0x3e: {  	v62 =	vadd.s32 v5, v16;
	v32 =	vld.idx.msk [tilespmem:v34+s2+$0x0], $0xffff;
	[tilespmem:s29+$0xFFFFFF90] =	vst v26  }
0x3f: {  	v35 =	vadd.s32 v7, v22;
	s31 =	simm.s32 $0x8;
	v25 =	vld.idx.msk [tilespmem:v25+s2+$0x0], $0xffff;
	[tilespmem:s28+$0x60] =	vst v24  }
0x40: {  	v63 =	vadd.s32 v4, v17;
	v24 =	vmov s31;
	v27 =	vld.idx.msk [tilespmem:v27+s2+$0x0], $0xffff;
	[tilespmem:s0+$0x40] =	vst v31  }
0x41: {  	[tilespmem:s0+$0xFFFFFFB0] =	vst v29;
	v37 =	vld.idx.msk [tilespmem:v23+s2+$0x0], $0xffff;
	v23 =	vand.u32 $0x3E, v24;
	v24 =	vadd.s32 v1, v20  }
0x42: {  	[tilespmem:s28+$0xFFFFFFD0] =	vst v28;
	v31 =	vld.idx.msk [tilespmem:v30+s2+$0x0], $0xffff;
	v38 =	vadd.s32 v0, v23  }
0x43: {  	s7 =	simm.s32 $0x1F80;
	v34 =	vadd.s32 v1, v19;
	v26 =	vld.idx.msk [tilespmem:v62+s2+$0x0], $0xffff;
	[tilespmem:s29+$0x20] =	vst v32  }
0x44: {  	[tilespmem:s7+$0x0] =	vst v25;
	v25 =	vld.idx.msk [tilespmem:v35+s2+$0x0], $0xffff;
	v35 =	vadd.s32 v7, v21  }
0x45: {  	v32 =	vadd.s32 v4, v18;
	v28 =	vld.idx.msk [tilespmem:v63+s2+$0x0], $0xffff  }
0x46: {  	v33 =	vadd.s32 v5, v17;
	[tilespmem:s7+$0xFFFFFF80] =	vst v36;
	v29 =	vld.idx.msk [tilespmem:v24+s2+$0x0], $0xffff  }
0x47: {  	s30 =	simm.s32 $0xA;
	s3 =	simm.s32 $0x1F80;
	s24 =	simm.s32 $0x9;
	v30 =	vadd.s32 v6, v16;
	[tilespmem:s28+$0x70] =	vst v37;
	v24 =	vld.idx.msk [tilespmem:v38+s2+$0x0], $0xffff  }
.LBB2_3:
0x48: {  	p0 =	slt.u32 s30, $0x30;
	v36 =	vmov s24;
	v34 =	vld.idx.msk [tilespmem:v34+s2+$0x0], $0xffff;
	v37 =	vadd.s32 v2, v20;
	[tilespmem:s0+$0x50] =	vst v31  }
0x49: {  	v31 =	vand.u32 $0x3F, v36;
	[tilespmem:s29+$0xFFFFFFA0] =	vst v27;
	v27 =	vld.idx.msk [tilespmem:v35+s2+$0x0], $0xffff;
	v35 =	vadd.s32 v8, v22;
	v22 =	vmovc v16;
	v16 =	vmov v18  }
0x4a: {  	v18 =	vmov v19;
	v19 =	vmov v23;
	v36 =	vadd.s32 v0, v31;
	v32 =	vld.idx.msk [tilespmem:v32+s2+$0x0], $0xffff;
	[tilespmem:s29+$0x30] =	vst v28  }
0x4b: {  	v23 =	vadd.s32 v8, v21;
	v21 =	vmovc v17;
	v17 =	vmov v20;
	v20 =	vmov v31;
	v28 =	vld.idx.msk [tilespmem:v33+s2+$0x0], $0xffff;
	[tilespmem:s0+$0xFFFFFFC0] =	vst v26  }
0x4c: {  	v26 =	vadd.s32 v2, v18;
	[tilespmem:s7+$0x10] =	vst v29;
	v29 =	vld.idx.msk [tilespmem:v30+s2+$0x0], $0xffff  }
0x4d: {  	v31 =	vadd.s32 v6, v21;
	v30 =	vld.idx.msk [tilespmem:v37+s2+$0x0], $0xffff;
	[tilespmem:s28+$0xFFFFFFE0] =	vst v25  }
0x4e: {  	v25 =	vadd.s32 v5, v16;
	[tilespmem:s7+$0xFFFFFF90] =	vst v34;
	v33 =	vld.idx.msk [tilespmem:v35+s2+$0x0], $0xffff  }
0x4f: {  	v35 =	vadd.s32 v4, v17;
	v36 =	vld.idx.msk [tilespmem:v36+s2+$0x0], $0xffff;
	[tilespmem:s0+$0x60] =	vst v27  }
0x50: {  	v37 =	vadd.s32 v7, v22;
	v27 =	vmov s30;
	[tilespmem:s29+$0xFFFFFFB0] =	vst v32;
	v38 =	vld.idx.msk [tilespmem:v23+s2+$0x0], $0xffff  }
0x51: {  	v39 =	vadd.s32 v1, v20;
	v23 =	vand.u32 $0x3E, v27;
	v27 =	vld.idx.msk [tilespmem:v26+s2+$0x0], $0xffff;
	[tilespmem:s29+$0x40] =	vst v28  }
0x52: {  	v40 =	vadd.s32 v0, v23;
	v31 =	vld.idx.msk [tilespmem:v31+s2+$0x0], $0xffff;
	[tilespmem:s0+$0xFFFFFFD0] =	vst v29  }
.Ltmp0:
0x53: {  	v34 =	vadd.s32 v1, v19;
	[tilespmem:s7+$0x20] =	vst v30;
	v26 =	vld.idx.msk [tilespmem:v25+s2+$0x0], $0xffff;
	(pc) =	sbr.rel @p0 .LBB2_3-.Ltmp0, $4  }
0x54: {  	s7 =	sadd.s32 $0x100, s7;
	v28 =	vld.idx.msk [tilespmem:v35+s2+$0x0], $0xffff;
	v35 =	vadd.s32 v7, v21;
	[tilespmem:s28+$0xFFFFFFF0] =	vst v33;
	s28 =	smov.u32 s0;
	s0 =	smov.u32 s29  }
0x55: {  	v32 =	vadd.s32 v4, v18;
	s29 =	smov.u32 s3;
	s3 =	smov.u32 s7;
	[tilespmem:s7+$0x0] =	vst v36;
	v25 =	vld.idx.msk [tilespmem:v37+s2+$0x0], $0xffff  }
0x56: {  	v33 =	vadd.s32 v5, v17;
	v29 =	vld.idx.msk [tilespmem:v39+s2+$0x0], $0xffff;
	[tilespmem:s28+$0x70] =	vst v38  }
0x57: {  	s24 =	sadd.s32 $0x1, s30;
	s30 =	sadd.s32 $0x2, s30;
	v30 =	vadd.s32 v6, v16;
	[tilespmem:s7+$0xFFFFFF80] =	vst v24;
	v24 =	vld.idx.msk [tilespmem:v40+s2+$0x0], $0xffff  }
0x58: {  	v36 =	vmov s24  }
0x59: {  	v36 =	vand.u32 $0x3F, v36  }
0x5a: {  	v37 =	vadd.s32 v0, v36;
	_ =	sdelay $0x1  }
0x5b: {  	[tilespmem:s0+$0x50] =	vst v31  }
0x5c: {  	[tilespmem:s29+$0xFFFFFFA0] =	vst v27  }
0x5d: {  	v52 =	vld.idx.msk [tilespmem:v34+s2+$0x0], $0xffff;
	[tilespmem:s0+$0xFFFFFFC0] =	vst v26;
	v53 =	vadd.s32 v1, v23  }
0x5e: {  	[tilespmem:s29+$0x30] =	vst v28;
	v50 =	vld.idx.msk [tilespmem:v37+s2+$0x0], $0xffff  }
0x5f: {  	v54 =	vld.idx.msk [tilespmem:v35+s2+$0x0], $0xffff;
	v51 =	vadd.s32 v1, v36;
	[tilespmem:s28+$0xFFFFFFE0] =	vst v25  }
0x60: {  	v55 =	vadd.s32 v2, v20;
	s30 =	sadd.s32 $0x100, s7;
	v32 =	vld.idx.msk [tilespmem:v32+s2+$0x0], $0xffff;
	[tilespmem:s7+$0x10] =	vst v29  }
0x61: {  	v22 =	vadd.s32 v8, v22;
	v30 =	vld.idx.msk [tilespmem:v30+s2+$0x0], $0xffff;
	[tilespmem:s30+$0xFFFFFF80] =	vst v24  }
0x62: {  	v57 =	vadd.s32 v2, v19;
	[tilespmem:s7+$0xFFFFFF90] =	vst v52;
	v24 =	vld.idx.msk [tilespmem:v53+s2+$0x0], $0xffff  }
0x63: {  	v59 =	vadd.s32 v2, v23;
	v56 =	vld.idx.msk [tilespmem:v33+s2+$0x0], $0xffff;
	[tilespmem:s30+$0x0] =	vst v50  }
0x64: {  	v21 =	vadd.s32 v8, v21;
	[tilespmem:s0+$0x60] =	vst v54;
	v28 =	vld.idx.msk [tilespmem:v51+s2+$0x0], $0xffff  }
0x65: {  	v58 =	vadd.s32 v2, v36;
	v29 =	vld.idx.msk [tilespmem:v55+s2+$0x0], $0xffff;
	[tilespmem:s29+$0xFFFFFFB0] =	vst v32  }
0x66: {  	v39 =	vadd.s32 v5, v18;
	v22 =	vld.idx.msk [tilespmem:v22+s2+$0x0], $0xffff;
	[tilespmem:s0+$0xFFFFFFD0] =	vst v30  }
0x67: {  	v60 =	vadd.s32 v6, v17;
	v27 =	vld.idx.msk [tilespmem:v57+s2+$0x0], $0xffff;
	[tilespmem:s30+$0xFFFFFF90] =	vst v24  }
0x68: {  	v61 =	vadd.s32 v4, v20;
	[tilespmem:s29+$0x40] =	vst v56;
	v37 =	vld.idx.msk [tilespmem:v59+s2+$0x0], $0xffff  }
0x69: {  	v38 =	vadd.s32 v4, v23;
	v21 =	vld.idx.msk [tilespmem:v21+s2+$0x0], $0xffff;
	[tilespmem:s30+$0x10] =	vst v28  }
0x6a: {  	v62 =	vadd.s32 v4, v19;
	[tilespmem:s7+$0x20] =	vst v29;
	v26 =	vld.idx.msk [tilespmem:v58+s2+$0x0], $0xffff  }
0x6b: {  	v63 =	vadd.s32 v4, v36;
	v44 =	vld.idx.msk [tilespmem:v39+s2+$0x0], $0xffff;
	[tilespmem:s28+$0xFFFFFFF0] =	vst v22  }
0x6c: {  	v40 =	vadd.s32 v7, v16;
	v32 =	vld.idx.msk [tilespmem:v60+s2+$0x0], $0xffff;
	[tilespmem:s3+$0xFFFFFFA0] =	vst v27  }
0x6d: {  	v46 =	vadd.s32 v7, v17;
	v25 =	vld.idx.msk [tilespmem:v61+s2+$0x0], $0xffff;
	[tilespmem:s30+$0xFFFFFFA0] =	vst v37  }
0x6e: {  	v41 =	vadd.s32 v5, v20;
	[tilespmem:s0+$0x70] =	vst v21;
	v29 =	vld.idx.msk [tilespmem:v38+s2+$0x0], $0xffff  }
0x6f: {  	v45 =	vadd.s32 v5, v23;
	v28 =	vld.idx.msk [tilespmem:v62+s2+$0x0], $0xffff;
	[tilespmem:s30+$0x20] =	vst v26  }
0x70: {  	v42 =	vadd.s32 v5, v19;
	[tilespmem:s29+$0xFFFFFFC0] =	vst v44;
	v24 =	vld.idx.msk [tilespmem:v63+s2+$0x0], $0xffff  }
0x71: {  	v43 =	vadd.s32 v5, v36;
	v22 =	vld.idx.msk [tilespmem:v40+s2+$0x0], $0xffff;
	[tilespmem:s29+$0x50] =	vst v32  }
0x72: {  	v47 =	vadd.s32 v6, v18;
	v52 =	vld.idx.msk [tilespmem:v46+s2+$0x0], $0xffff;
	[tilespmem:s3+$0x30] =	vst v25  }
0x73: {  	v16 =	vadd.s32 v8, v16;
	v27 =	vld.idx.msk [tilespmem:v41+s2+$0x0], $0xffff;
	[tilespmem:s30+$0xFFFFFFB0] =	vst v29  }
0x74: {  	v48 =	vadd.s32 v6, v20;
	[tilespmem:s3+$0xFFFFFFB0] =	vst v28;
	v51 =	vld.idx.msk [tilespmem:v45+s2+$0x0], $0xffff  }
0x75: {  	v53 =	vadd.s32 v6, v23;
	v26 =	vld.idx.msk [tilespmem:v42+s2+$0x0], $0xffff;
	[tilespmem:s30+$0x30] =	vst v24  }
0x76: {  	v49 =	vadd.s32 v6, v19;
	[tilespmem:s0+$0xFFFFFFE0] =	vst v22;
	v21 =	vld.idx.msk [tilespmem:v43+s2+$0x0], $0xffff  }
0x77: {  	v50 =	vadd.s32 v6, v36;
	v25 =	vld.idx.msk [tilespmem:v47+s2+$0x0], $0xffff;
	[tilespmem:s29+$0x60] =	vst v52  }
0x78: {  	v17 =	vadd.s32 v8, v17;
	v16 =	vld.idx.msk [tilespmem:v16+s2+$0x0], $0xffff;
	[tilespmem:s3+$0x40] =	vst v27  }
0x79: {  	v54 =	vadd.s32 v7, v18;
	v28 =	vld.idx.msk [tilespmem:v48+s2+$0x0], $0xffff;
	[tilespmem:s30+$0xFFFFFFC0] =	vst v51  }
0x7a: {  	v55 =	vadd.s32 v7, v20;
	[tilespmem:s3+$0xFFFFFFC0] =	vst v26;
	v22 =	vld.idx.msk [tilespmem:v53+s2+$0x0], $0xffff  }
0x7b: {  	v58 =	vadd.s32 v7, v23;
	v24 =	vld.idx.msk [tilespmem:v49+s2+$0x0], $0xffff;
	[tilespmem:s30+$0x40] =	vst v21  }
0x7c: {  	v56 =	vadd.s32 v7, v19;
	[tilespmem:s29+$0xFFFFFFD0] =	vst v25;
	v29 =	vld.idx.msk [tilespmem:v50+s2+$0x0], $0xffff  }
0x7d: {  	v57 =	vadd.s32 v7, v36;
	v17 =	vld.idx.msk [tilespmem:v17+s2+$0x0], $0xffff;
	[tilespmem:s0+$0xFFFFFFF0] =	vst v16  }
0x7e: {  	v27 =	vld.idx.msk [tilespmem:v54+s2+$0x0], $0xffff;
	[tilespmem:s3+$0x50] =	vst v28  }
0x7f: {  	v59 =	vadd.s32 v8, v18;
	v26 =	vld.idx.msk [tilespmem:v55+s2+$0x0], $0xffff;
	[tilespmem:s30+$0xFFFFFFD0] =	vst v22  }
0x80: {  	v60 =	vadd.s32 v8, v20;
	[tilespmem:s3+$0xFFFFFFD0] =	vst v24;
	v22 =	vld.idx.msk [tilespmem:v58+s2+$0x0], $0xffff  }
0x81: {  	v63 =	vadd.s32 v8, v23;
	v21 =	vld.idx.msk [tilespmem:v56+s2+$0x0], $0xffff;
	[tilespmem:s30+$0x50] =	vst v29  }
0x82: {  	v62 =	vadd.s32 v8, v19;
	[tilespmem:s29+$0x70] =	vst v17;
	v61 =	vld.idx.msk [tilespmem:v57+s2+$0x0], $0xffff  }
0x83: {  	v16 =	vadd.s32 v8, v36;
	[tilespmem:s29+$0xFFFFFFE0] =	vst v27  }
0x84: {  	v18 =	vld.idx.msk [tilespmem:v59+s2+$0x0], $0xffff;
	[tilespmem:s3+$0x60] =	vst v26  }
0x85: {  	v20 =	vld.idx.msk [tilespmem:v60+s2+$0x0], $0xffff;
	[tilespmem:s30+$0xFFFFFFE0] =	vst v22  }
0x86: {  	[tilespmem:s3+$0xFFFFFFE0] =	vst v21;
	v17 =	vld.idx.msk [tilespmem:v63+s2+$0x0], $0xffff  }
0x87: {  	v19 =	vld.idx.msk [tilespmem:v62+s2+$0x0], $0xffff;
	[tilespmem:s30+$0x60] =	vst v61  }
0x88: {  	v16 =	vld.idx.msk [tilespmem:v16+s2+$0x0], $0xffff  }
0x89: {  	[tilespmem:s29+$0xFFFFFFF0] =	vst v18  }
0x8a: {  	[tilespmem:s3+$0x70] =	vst v20  }
0x8b: {  	[tilespmem:s30+$0xFFFFFFF0] =	vst v17  }
0x8c: {  	[tilespmem:s3+$0xFFFFFFF0] =	vst v19  }
0x8d: {  	s26 =	sshll.u32 s26, $0xA;
	s28 =	simm.s32 $0x0;
	s29 =	simm.s32 $0x0;
	[tilespmem:s30+$0x70] =	vst v16  }
.LBB2_5:
0x8e: {  	s24 =	simm.s32 $0x3  }
0x8f: {  	s0 =	sshll.u32 s29, $0x8;
	s3 =	simm.s32 $0x1;
	s30 =	sshllo.u32 s29, $0x1;
	v16 =	vmov s24  }
0x90: {  	s7 =	simm.s32 $0x2;
	s0 =	sand.u32 $0x3FFFFF00, s0;
	v17 =	vmov s3;
	s24 =	sshll.u32 s30, $0x7;
	v16 =	vand.u32 $0x1F, v16  }
0x91: {  	v18 =	vmov s7;
	s0 =	sadd.s32 $0x1C00, s0;
	v17 =	vand.u32 $0x1D, v17;
	s3 =	sand.u32 $0x3FFFFF80, s24;
	v22 =	vbroadcast v16, $0x0  }
0x92: {  	[tilespmem:s10], [sflag:$0x1] =	stream.indirect.gather [hbm4b:s4+s9], $0x20, s0, s9, $0xb8;
	v25 =	vbroadcast v17, $0x0;
	v16 =	vand.u32 $0x1E, v18;
	[tilespmem:$0x7500] =	vst v63  }
0x93: {  	s0 =	sadd.s32 $0x1C00, s3;
	v17 =	vmov s28;
	v24 =	vbroadcast v16, $0x0;
	v16 =	vor.u32 v3, v22  }
0x94: {  	v17 =	vand.u32 $0x1C, v17;
	[tilespmem:s11], [sflag:$0x2] =	stream.indirect.gather [hbm4b:s4+s9], $0x20, s0, s9, $0xb8;
	v18 =	vor.u32 v3, v25;
	[tilespmem:$0x7500] =	vst v63  }
0x95: {  	v20 =	vbroadcast v17, $0x0;
	_ =	swait.ge [sflag:s12], $0x1000;
	v17 =	vor.u32 v3, v24  }
0x96: {  	[sflag:s12] =	ssyncset.done $0x0  }
0x97: {  	v19 =	vor.u32 v3, v20;
	[sflag:s12] =	ssyncadd.s32 $0xFFFFF000  }
0x98: {  	v16 =	vld.idx.msk [tilespmem:v16+s10+$0x0], $0xffff  }
0x99: {  	v21 =	vor.u32 v9, v22;
	v18 =	vld.idx.msk [tilespmem:v18+s10+$0x0], $0xffff  }
0x9a: {  	v23 =	vor.u32 v9, v25;
	v17 =	vld.idx.msk [tilespmem:v17+s10+$0x0], $0xffff  }
0x9b: {  	v26 =	vor.u32 v9, v24  }
0x9c: {  	s0 =	simm.s32 $0x5600;
	v19 =	vld.idx.msk [tilespmem:v19+s10+$0x0], $0xffff  }
0x9d: {  	v27 =	vor.u32 v9, v20;
	[tilespmem:s0+$0x80] =	vst v16  }
0x9e: {  	[tilespmem:s0+$0xFFFFFF80] =	vst v18;
	v16 =	vld.idx.msk [tilespmem:v21+s10+$0x0], $0xffff  }
0x9f: {  	v18 =	vld.idx.msk [tilespmem:v23+s10+$0x0], $0xffff;
	[tilespmem:s0+$0x0] =	vst v17;
	v17 =	vor.u32 v10, v22  }
0xa0: {  	v23 =	vor.u32 v10, v25;
	v21 =	vld.idx.msk [tilespmem:v26+s10+$0x0], $0xffff  }
0xa1: {  	[tilespmem:s0+$0xFFFFFF00] =	vst v19;
	v19 =	vor.u32 v10, v24  }
0xa2: {  	v26 =	vld.idx.msk [tilespmem:v27+s10+$0x0], $0xffff  }
0xa3: {  	s7 =	simm.s32 $0x4;
	v27 =	vor.u32 v10, v20;
	[tilespmem:s0+$0x90] =	vst v16  }
0xa4: {  	v16 =	vmov s7;
	[tilespmem:s0+$0xFFFFFF90] =	vst v18;
	v18 =	vld.idx.msk [tilespmem:v17+s10+$0x0], $0xffff  }
0xa5: {  	s24 =	simm.s32 $0x5;
	v16 =	vand.u32 $0x1C, v16;
	v23 =	vld.idx.msk [tilespmem:v23+s10+$0x0], $0xffff;
	[tilespmem:s0+$0x10] =	vst v21;
	v21 =	vor.u32 v11, v22  }
0xa6: {  	v28 =	vor.u32 v11, v25;
	v17 =	vmov s24;
	v16 =	vbroadcast v16, $0x0;
	v19 =	vld.idx.msk [tilespmem:v19+s10+$0x0], $0xffff  }
0xa7: {  	v17 =	vand.u32 $0x1D, v17;
	[tilespmem:s0+$0xFFFFFF10] =	vst v26;
	v26 =	vor.u32 v11, v24  }
0xa8: {  	v17 =	vbroadcast v17, $0x0;
	v27 =	vld.idx.msk [tilespmem:v27+s10+$0x0], $0xffff;
	v29 =	vor.u32 v3, v16  }
0xa9: {  	v30 =	vor.u32 v11, v20;
	s7 =	simm.s32 $0x7;
	[tilespmem:s0+$0xA0] =	vst v18  }
0xaa: {  	s24 =	simm.s32 $0x6;
	v31 =	vor.u32 v3, v17;
	[tilespmem:s0+$0xFFFFFFA0] =	vst v23;
	v18 =	vmov s7;
	v23 =	vld.idx.msk [tilespmem:v21+s10+$0x0], $0xffff  }
0xab: {  	v33 =	vmov s24;
	v28 =	vld.idx.msk [tilespmem:v28+s10+$0x0], $0xffff;
	[tilespmem:s0+$0x20] =	vst v19;
	v19 =	vor.u32 v12, v22;
	v18 =	vand.u32 $0x1F, v18  }
0xac: {  	v32 =	vor.u32 v12, v25;
	v26 =	vld.idx.msk [tilespmem:v26+s10+$0x0], $0xffff;
	v21 =	vbroadcast v18, $0x0;
	v18 =	vand.u32 $0x1E, v33  }
0xad: {  	[tilespmem:s0+$0xFFFFFF20] =	vst v27;
	v27 =	vor.u32 v12, v24;
	v29 =	vld.idx.msk [tilespmem:v29+s10+$0x0], $0xffff;
	v18 =	vbroadcast v18, $0x0  }
0xae: {  	v30 =	vld.idx.msk [tilespmem:v30+s10+$0x0], $0xffff;
	v54 =	vor.u32 v3, v21  }
0xaf: {  	v31 =	vld.idx.msk [tilespmem:v31+s10+$0x0], $0xffff;
	v34 =	vor.u32 v3, v18;
	[tilespmem:s0+$0xB0] =	vst v23  }
0xb0: {  	s3 =	simm.s32 $0x8;
	v23 =	vor.u32 v12, v20;
	[tilespmem:s0+$0xFFFFFFB0] =	vst v28;
	v28 =	vld.idx.msk [tilespmem:v19+s10+$0x0], $0xffff  }
0xb1: {  	v19 =	vmov s3;
	v32 =	vld.idx.msk [tilespmem:v32+s10+$0x0], $0xffff;
	[tilespmem:s0+$0x30] =	vst v26;
	v26 =	vor.u32 v13, v22  }
0xb2: {  	v35 =	vor.u32 v13, v25;
	v19 =	vand.u32 $0x1C, v19;
	v27 =	vld.idx.msk [tilespmem:v27+s10+$0x0], $0xffff  }
0xb3: {  	v55 =	vor.u32 v13, v24;
	[tilespmem:s0+$0xFFFFFF30] =	vst v30;
	v19 =	vbroadcast v19, $0x0;
	v30 =	vld.idx.msk [tilespmem:v54+s10+$0x0], $0xffff  }
0xb4: {  	v38 =	vor.u32 v9, v21;
	v34 =	vld.idx.msk [tilespmem:v34+s10+$0x0], $0xffff  }
0xb5: {  	v36 =	vor.u32 v3, v19;
	v37 =	vld.idx.msk [tilespmem:v23+s10+$0x0], $0xffff;
	[tilespmem:s0+$0xC0] =	vst v28  }
0xb6: {  	v56 =	vor.u32 v9, v18;
	[tilespmem:s0+$0xFFFFFFC0] =	vst v32;
	v26 =	vld.idx.msk [tilespmem:v26+s10+$0x0], $0xffff  }
0xb7: {  	s31 =	simm.s32 $0x5800;
	v28 =	vor.u32 v9, v17;
	v35 =	vld.idx.msk [tilespmem:v35+s10+$0x0], $0xffff;
	[tilespmem:s0+$0x40] =	vst v27  }
0xb8: {  	v57 =	vor.u32 v14, v22;
	v27 =	vld.idx.msk [tilespmem:v55+s10+$0x0], $0xffff;
	[tilespmem:s31+$0x80] =	vst v30  }
0xb9: {  	v58 =	vor.u32 v9, v16;
	[tilespmem:s31+$0xFFFFFF80] =	vst v31;
	v30 =	vld.idx.msk [tilespmem:v38+s10+$0x0], $0xffff  }
0xba: {  	v31 =	vor.u32 v13, v20;
	[tilespmem:s31+$0x0] =	vst v34;
	v23 =	vld.idx.msk [tilespmem:v36+s10+$0x0], $0xffff  }
0xbb: {  	v59 =	vor.u32 v14, v25;
	[tilespmem:s31+$0xFFFFFF00] =	vst v29;
	v32 =	vld.idx.msk [tilespmem:v56+s10+$0x0], $0xffff  }
0xbc: {  	v60 =	vor.u32 v10, v21;
	v28 =	vld.idx.msk [tilespmem:v28+s10+$0x0], $0xffff;
	[tilespmem:s0+$0xD0] =	vst v26  }
0xbd: {  	v29 =	vor.u32 v10, v17;
	[tilespmem:s0+$0xFFFFFF40] =	vst v37;
	v33 =	vld.idx.msk [tilespmem:v57+s10+$0x0], $0xffff  }
0xbe: {  	v22 =	vor.u32 v15, v22;
	v36 =	vld.idx.msk [tilespmem:v58+s10+$0x0], $0xffff;
	[tilespmem:s0+$0xFFFFFFD0] =	vst v35  }
0xbf: {  	v39 =	vor.u32 v10, v18;
	v31 =	vld.idx.msk [tilespmem:v31+s10+$0x0], $0xffff;
	[tilespmem:s0+$0x50] =	vst v27  }
0xc0: {  	v61 =	vor.u32 v10, v16;
	v26 =	vld.idx.msk [tilespmem:v59+s10+$0x0], $0xffff;
	[tilespmem:s31+$0x90] =	vst v30  }
0xc1: {  	v40 =	vor.u32 v14, v20;
	s7 =	simm.s32 $0x9;
	[tilespmem:s31+$0xFFFFFF90] =	vst v28;
	v28 =	vld.idx.msk [tilespmem:v60+s10+$0x0], $0xffff  }
0xc2: {  	v30 =	vor.u32 v14, v24;
	v62 =	vld.idx.msk [tilespmem:v29+s10+$0x0], $0xffff;
	v29 =	vmov s7;
	[tilespmem:s0+$0xE0] =	vst v33  }
0xc3: {  	v41 =	vor.u32 v11, v21;
	[tilespmem:s31+$0x10] =	vst v32;
	v34 =	vld.idx.msk [tilespmem:v22+s10+$0x0], $0xffff;
	v22 =	vand.u32 $0x1D, v29  }
0xc4: {  	v63 =	vor.u32 v11, v17;
	[tilespmem:s31+$0xFFFFFF10] =	vst v36;
	v39 =	vld.idx.msk [tilespmem:v39+s10+$0x0], $0xffff;
	v22 =	vbroadcast v22, $0x0  }
0xc5: {  	v37 =	vor.u32 v11, v18;
	v32 =	vld.idx.msk [tilespmem:v61+s10+$0x0], $0xffff;
	[tilespmem:s0+$0xFFFFFF50] =	vst v31  }
0xc6: {  	v27 =	vld.idx.msk [tilespmem:v40+s10+$0x0], $0xffff;
	[tilespmem:s31+$0xA0] =	vst v28;
	v28 =	vor.u32 v3, v22  }
0xc7: {  	v35 =	vor.u32 v11, v16;
	v29 =	vld.idx.msk [tilespmem:v30+s10+$0x0], $0xffff  }
0xc8: {  	v33 =	vor.u32 v15, v25;
	[tilespmem:s31+$0xFFFFFFA0] =	vst v62;
	v30 =	vld.idx.msk [tilespmem:v41+s10+$0x0], $0xffff  }
0xc9: {  	s24 =	simm.s32 $0xB;
	v36 =	vor.u32 v15, v24;
	s7 =	simm.s32 $0xC;
	[tilespmem:s31+$0x20] =	vst v39;
	v31 =	vld.idx.msk [tilespmem:v63+s10+$0x0], $0xffff  }
.LBB2_6:
0xca: {  	p0 =	slt.u32 s7, $0x1C;
	v24 =	vmov s24;
	v25 =	vld.idx.msk [tilespmem:v37+s10+$0x0], $0xffff;
	v37 =	vor.u32 v12, v21;
	[tilespmem:s0+$0xF0] =	vst v34  }
0xcb: {  	s24 =	sadd.s32 $0x2, s3;
	s3 =	smov.u32 s7;
	v28 =	vld.idx.msk [tilespmem:v28+s10+$0x0], $0xffff;
	v24 =	vand.u32 $0x1F, v24;
	[tilespmem:s31+$0xFFFFFF20] =	vst v32;
	v32 =	vor.u32 v12, v17  }
0xcc: {  	v38 =	vor.u32 v12, v18;
	v34 =	vmov s24;
	v24 =	vbroadcast v24, $0x0;
	v35 =	vld.idx.msk [tilespmem:v35+s10+$0x0], $0xffff;
	[tilespmem:s0+$0xFFFFFFE0] =	vst v26  }
0xcd: {  	v26 =	vand.u32 $0x1E, v34;
	v34 =	vor.u32 v15, v20;
	v20 =	vmovc v16;
	v16 =	vmov v19;
	v33 =	vld.idx.msk [tilespmem:v33+s10+$0x0], $0xffff;
	[tilespmem:s0+$0x60] =	vst v29  }
0xce: {  	v39 =	vbroadcast v26, $0x0;
	v26 =	vor.u32 v3, v24;
	[tilespmem:s31+$0xB0] =	vst v30;
	v29 =	vld.idx.msk [tilespmem:v36+s10+$0x0], $0xffff  }
0xcf: {  	v30 =	vor.u32 v12, v20;
	[tilespmem:s31+$0xFFFFFFB0] =	vst v31;
	v31 =	vld.idx.msk [tilespmem:v37+s10+$0x0], $0xffff  }
0xd0: {  	v19 =	vmov s7;
	v36 =	vor.u32 v3, v39;
	v32 =	vld.idx.msk [tilespmem:v32+s10+$0x0], $0xffff;
	[tilespmem:s31+$0x30] =	vst v25  }
0xd1: {  	v19 =	vand.u32 $0x1C, v19;
	v37 =	vor.u32 v13, v21;
	v25 =	vld.idx.msk [tilespmem:v38+s10+$0x0], $0xffff;
	[tilespmem:s0+$0xFFFFFF60] =	vst v27  }
0xd2: {  	v19 =	vbroadcast v19, $0x0;
	v27 =	vor.u32 v13, v17;
	[tilespmem:s31+$0xFFFFFF30] =	vst v35;
	v34 =	vld.idx.msk [tilespmem:v34+s10+$0x0], $0xffff  }
0xd3: {  	v35 =	vor.u32 v13, v18;
	v26 =	vld.idx.msk [tilespmem:v26+s10+$0x0], $0xffff;
	[tilespmem:s0+$0xFFFFFFF0] =	vst v33  }
0xd4: {  	v33 =	vor.u32 v3, v19;
	v30 =	vld.idx.msk [tilespmem:v30+s10+$0x0], $0xffff;
	[tilespmem:s0+$0x70] =	vst v29  }
0xd5: {  	v29 =	vld.idx.msk [tilespmem:v36+s10+$0x0], $0xffff;
	v36 =	vor.u32 v9, v24;
	[tilespmem:s31+$0xC0] =	vst v31  }
0xd6: {  	v31 =	vor.u32 v9, v22;
	[tilespmem:s31+$0xFFFFFFC0] =	vst v32;
	v32 =	vld.idx.msk [tilespmem:v37+s10+$0x0], $0xffff  }
0xd7: {  	v37 =	vor.u32 v9, v39;
	v27 =	vld.idx.msk [tilespmem:v27+s10+$0x0], $0xffff;
	[tilespmem:s31+$0x40] =	vst v25  }
0xd8: {  	v25 =	vld.idx.msk [tilespmem:v35+s10+$0x0], $0xffff;
	v35 =	vor.u32 v14, v21;
	[tilespmem:s0+$0xFFFFFF70] =	vst v34;
	s0 =	smov.u32 s31;
	s31 =	sadd.s32 $0x200, s31  }
0xd9: {  	v34 =	vor.u32 v9, v16;
	v33 =	vld.idx.msk [tilespmem:v33+s10+$0x0], $0xffff;
	[tilespmem:s31+$0x80] =	vst v26  }
0xda: {  	[tilespmem:s31+$0xFFFFFF80] =	vst v28;
	v26 =	vld.idx.msk [tilespmem:v36+s10+$0x0], $0xffff;
	v28 =	vor.u32 v13, v20  }
0xdb: {  	v31 =	vld.idx.msk [tilespmem:v31+s10+$0x0], $0xffff;
	[tilespmem:s31+$0x0] =	vst v29;
	v29 =	vor.u32 v14, v17  }
0xdc: {  	v36 =	vld.idx.msk [tilespmem:v37+s10+$0x0], $0xffff;
	v37 =	vor.u32 v10, v24;
	[tilespmem:s0+$0xD0] =	vst v32  }
0xdd: {  	v32 =	vor.u32 v10, v22;
	[tilespmem:s31+$0xFFFFFF00] =	vst v23;
	v35 =	vld.idx.msk [tilespmem:v35+s10+$0x0], $0xffff  }
0xde: {  	v38 =	vor.u32 v10, v39;
	v34 =	vld.idx.msk [tilespmem:v34+s10+$0x0], $0xffff;
	[tilespmem:s0+$0xFFFFFF40] =	vst v30  }
0xdf: {  	v23 =	vmov v33;
	v30 =	vld.idx.msk [tilespmem:v28+s10+$0x0], $0xffff;
	[tilespmem:s0+$0xFFFFFFD0] =	vst v27;
	v27 =	vor.u32 v15, v21;
	v21 =	vmov v24  }
0xe0: {  	v24 =	vor.u32 v10, v16;
	[tilespmem:s31+$0x90] =	vst v26;
	v26 =	vld.idx.msk [tilespmem:v29+s10+$0x0], $0xffff  }
0xe1: {  	s24 =	sadd.s32 $0x1, s7;
	v29 =	vor.u32 v14, v18;
	[tilespmem:s31+$0xFFFFFF90] =	vst v31;
	v31 =	vld.idx.msk [tilespmem:v37+s10+$0x0], $0xffff  }
0xe2: {  	v28 =	vmov s24;
	v33 =	vld.idx.msk [tilespmem:v32+s10+$0x0], $0xffff;
	[tilespmem:s31+$0x10] =	vst v36;
	v36 =	vor.u32 v14, v20  }
0xe3: {  	v28 =	vand.u32 $0x1D, v28;
	v40 =	vor.u32 v11, v21;
	v38 =	vld.idx.msk [tilespmem:v38+s10+$0x0], $0xffff;
	[tilespmem:s0+$0xE0] =	vst v35  }
0xe4: {  	v42 =	vor.u32 v11, v22;
	v41 =	vbroadcast v28, $0x0;
	[tilespmem:s31+$0xFFFFFF10] =	vst v34;
	v34 =	vld.idx.msk [tilespmem:v27+s10+$0x0], $0xffff  }
.Ltmp1:
0xe5: {  	v37 =	vor.u32 v11, v39;
	v32 =	vld.idx.msk [tilespmem:v24+s10+$0x0], $0xffff;
	[tilespmem:s0+$0x50] =	vst v25;
	(pc) =	sbr.rel @p0 .LBB2_6-.Ltmp1, $4  }
0xe6: {  	v28 =	vor.u32 v3, v41;
	[tilespmem:s0+$0xFFFFFF50] =	vst v30;
	v29 =	vld.idx.msk [tilespmem:v29+s10+$0x0], $0xffff  }
0xe7: {  	v35 =	vor.u32 v11, v16;
	[tilespmem:s31+$0xA0] =	vst v31;
	v27 =	vld.idx.msk [tilespmem:v36+s10+$0x0], $0xffff  }
0xe8: {  	[tilespmem:s31+$0xFFFFFFA0] =	vst v33;
	v30 =	vld.idx.msk [tilespmem:v40+s10+$0x0], $0xffff;
	v33 =	vor.u32 v15, v17;
	v17 =	vmov v22;
	v22 =	vmov v41  }
0xe9: {  	s7 =	sadd.s32 $0x4, s7;
	s24 =	sadd.s32 $0x3, s3;
	v36 =	vor.u32 v15, v18;
	v18 =	vmov v39;
	v31 =	vld.idx.msk [tilespmem:v42+s10+$0x0], $0xffff;
	[tilespmem:s31+$0x20] =	vst v38  }
0xea: {  	_ =	sdelay $0x1  }
0xeb: {  	v24 =	vmov s24;
	[tilespmem:s0+$0xF0] =	vst v34  }
0xec: {  	v58 =	vor.u32 v12, v21;
	s3 =	sadd.s32 $0x2, s3;
	[tilespmem:s31+$0xFFFFFF20] =	vst v32;
	v24 =	vand.u32 $0x1F, v24  }
0xed: {  	v57 =	vld.idx.msk [tilespmem:v37+s10+$0x0], $0xffff;
	[tilespmem:s0+$0xFFFFFFE0] =	vst v26;
	v38 =	vmov s3;
	v25 =	vbroadcast v24, $0x0  }
0xee: {  	v60 =	vor.u32 v12, v18;
	v26 =	vld.idx.msk [tilespmem:v35+s10+$0x0], $0xffff;
	[tilespmem:s0+$0x60] =	vst v29;
	v24 =	vand.u32 $0x1E, v38  }
0xef: {  	v29 =	vld.idx.msk [tilespmem:v33+s10+$0x0], $0xffff;
	[tilespmem:s0+$0xFFFFFF60] =	vst v27;
	v24 =	vbroadcast v24, $0x0;
	v61 =	vor.u32 v3, v25  }
0xf0: {  	[tilespmem:s31+$0xB0] =	vst v30;
	v30 =	vld.idx.msk [tilespmem:v36+s10+$0x0], $0xffff  }
0xf1: {  	[tilespmem:s31+$0xFFFFFFB0] =	vst v31;
	v31 =	vld.idx.msk [tilespmem:v58+s10+$0x0], $0xffff;
	v62 =	vor.u32 v3, v24  }
0xf2: {  	v59 =	vor.u32 v12, v17;
	[tilespmem:s31+$0x30] =	vst v57  }
0xf3: {  	v20 =	vor.u32 v15, v20;
	v27 =	vld.idx.msk [tilespmem:v60+s10+$0x0], $0xffff;
	[tilespmem:s31+$0xFFFFFF30] =	vst v26  }
0xf4: {  	v26 =	vor.u32 v13, v21;
	[tilespmem:s0+$0xFFFFFFF0] =	vst v29;
	v33 =	vld.idx.msk [tilespmem:v61+s10+$0x0], $0xffff  }
0xf5: {  	v28 =	vld.idx.msk [tilespmem:v28+s10+$0x0], $0xffff;
	v29 =	vor.u32 v9, v25;
	[tilespmem:s0+$0x70] =	vst v30  }
0xf6: {  	s24 =	sadd.s32 $0x200, s31;
	v30 =	vld.idx.msk [tilespmem:v62+s10+$0x0], $0xffff;
	[tilespmem:s31+$0xC0] =	vst v31;
	v31 =	vor.u32 v9, v22  }
0xf7: {  	[tilespmem:s24+$0xFFFFFF00] =	vst v23;
	v32 =	vld.idx.msk [tilespmem:v59+s10+$0x0], $0xffff;
	v63 =	vor.u32 v9, v24  }
0xf8: {  	v20 =	vld.idx.msk [tilespmem:v20+s10+$0x0], $0xffff;
	[tilespmem:s31+$0x40] =	vst v27;
	v27 =	vor.u32 v9, v19  }
0xf9: {  	v36 =	vor.u32 v12, v16;
	v26 =	vld.idx.msk [tilespmem:v26+s10+$0x0], $0xffff;
	[tilespmem:s24+$0x80] =	vst v33  }
0xfa: {  	v37 =	vor.u32 v13, v17;
	[tilespmem:s24+$0xFFFFFF80] =	vst v28;
	v28 =	vld.idx.msk [tilespmem:v29+s10+$0x0], $0xffff  }
0xfb: {  	v29 =	vld.idx.msk [tilespmem:v31+s10+$0x0], $0xffff;
	[tilespmem:s24+$0x0] =	vst v30;
	v30 =	vor.u32 v10, v25  }
0xfc: {  	v23 =	vor.u32 v10, v22;
	[tilespmem:s31+$0xFFFFFFC0] =	vst v32;
	v31 =	vld.idx.msk [tilespmem:v63+s10+$0x0], $0xffff  }
0xfd: {  	[tilespmem:s0+$0xFFFFFF70] =	vst v20;
	v20 =	vld.idx.msk [tilespmem:v27+s10+$0x0], $0xffff;
	v27 =	vor.u32 v10, v24  }
0xfe: {  	v38 =	vld.idx.msk [tilespmem:v36+s10+$0x0], $0xffff;
	[tilespmem:s31+$0xD0] =	vst v26;
	v26 =	vor.u32 v10, v19  }
0xff: {  	v39 =	vor.u32 v14, v21;
	v33 =	vld.idx.msk [tilespmem:v37+s10+$0x0], $0xffff;
	[tilespmem:s24+$0x90] =	vst v28  }
0x100: {  	v28 =	vor.u32 v13, v18;
	[tilespmem:s24+$0xFFFFFF90] =	vst v29;
	v29 =	vld.idx.msk [tilespmem:v30+s10+$0x0], $0xffff  }
0x101: {  	v23 =	vld.idx.msk [tilespmem:v23+s10+$0x0], $0xffff;
	[tilespmem:s24+$0x10] =	vst v31;
	v30 =	vor.u32 v11, v25  }
0x102: {  	[tilespmem:s24+$0xFFFFFF10] =	vst v20;
	v20 =	vor.u32 v11, v22;
	v27 =	vld.idx.msk [tilespmem:v27+s10+$0x0], $0xffff  }
0x103: {  	[tilespmem:s31+$0xFFFFFF40] =	vst v38;
	v31 =	vor.u32 v11, v24;
	v26 =	vld.idx.msk [tilespmem:v26+s10+$0x0], $0xffff  }
0x104: {  	v41 =	vor.u32 v11, v19;
	v40 =	vld.idx.msk [tilespmem:v39+s10+$0x0], $0xffff;
	[tilespmem:s31+$0xFFFFFFD0] =	vst v33  }
0x105: {  	v42 =	vor.u32 v13, v16;
	v28 =	vld.idx.msk [tilespmem:v28+s10+$0x0], $0xffff;
	[tilespmem:s24+$0xA0] =	vst v29  }
0x106: {  	v21 =	vor.u32 v15, v21;
	[tilespmem:s24+$0xFFFFFFA0] =	vst v23;
	v23 =	vld.idx.msk [tilespmem:v30+s10+$0x0], $0xffff  }
0x107: {  	v20 =	vld.idx.msk [tilespmem:v20+s10+$0x0], $0xffff;
	[tilespmem:s24+$0x20] =	vst v27;
	v27 =	vor.u32 v12, v25  }
0x108: {  	[tilespmem:s24+$0xFFFFFF20] =	vst v26;
	v26 =	vor.u32 v12, v22;
	v29 =	vld.idx.msk [tilespmem:v31+s10+$0x0], $0xffff  }
0x109: {  	[tilespmem:s31+$0xE0] =	vst v40;
	v30 =	vld.idx.msk [tilespmem:v41+s10+$0x0], $0xffff;
	v31 =	vor.u32 v12, v24  }
0x10a: {  	v43 =	vld.idx.msk [tilespmem:v42+s10+$0x0], $0xffff;
	[tilespmem:s31+$0x50] =	vst v28;
	v28 =	vor.u32 v12, v19  }
0x10b: {  	v44 =	vor.u32 v14, v17;
	v21 =	vld.idx.msk [tilespmem:v21+s10+$0x0], $0xffff;
	[tilespmem:s24+$0xB0] =	vst v23  }
0x10c: {  	v23 =	vor.u32 v14, v18;
	[tilespmem:s24+$0xFFFFFFB0] =	vst v20;
	v20 =	vld.idx.msk [tilespmem:v27+s10+$0x0], $0xffff  }
0x10d: {  	v26 =	vld.idx.msk [tilespmem:v26+s10+$0x0], $0xffff;
	[tilespmem:s24+$0x30] =	vst v29;
	v27 =	vor.u32 v13, v25  }
0x10e: {  	[tilespmem:s24+$0xFFFFFF30] =	vst v30;
	v30 =	vor.u32 v13, v22;
	v29 =	vld.idx.msk [tilespmem:v31+s10+$0x0], $0xffff  }
0x10f: {  	[tilespmem:s31+$0xFFFFFF50] =	vst v43;
	v31 =	vor.u32 v13, v24;
	v28 =	vld.idx.msk [tilespmem:v28+s10+$0x0], $0xffff  }
0x110: {  	v45 =	vld.idx.msk [tilespmem:v44+s10+$0x0], $0xffff;
	[tilespmem:s31+$0xF0] =	vst v21;
	v21 =	vor.u32 v13, v19  }
0x111: {  	v17 =	vor.u32 v15, v17;
	v23 =	vld.idx.msk [tilespmem:v23+s10+$0x0], $0xffff;
	[tilespmem:s24+$0xC0] =	vst v20  }
0x112: {  	v46 =	vor.u32 v14, v16;
	[tilespmem:s24+$0xFFFFFFC0] =	vst v26;
	v20 =	vld.idx.msk [tilespmem:v27+s10+$0x0], $0xffff  }
0x113: {  	v26 =	vld.idx.msk [tilespmem:v30+s10+$0x0], $0xffff;
	[tilespmem:s24+$0x40] =	vst v29;
	v27 =	vor.u32 v14, v25  }
0x114: {  	v30 =	vor.u32 v14, v22;
	v29 =	vld.idx.msk [tilespmem:v31+s10+$0x0], $0xffff;
	[tilespmem:s24+$0xFFFFFF40] =	vst v28  }
0x115: {  	[tilespmem:s31+$0xFFFFFFE0] =	vst v45;
	v28 =	vor.u32 v14, v24;
	v21 =	vld.idx.msk [tilespmem:v21+s10+$0x0], $0xffff  }
0x116: {  	v17 =	vld.idx.msk [tilespmem:v17+s10+$0x0], $0xffff;
	[tilespmem:s31+$0x60] =	vst v23;
	v23 =	vor.u32 v14, v19  }
0x117: {  	v18 =	vor.u32 v15, v18;
	v31 =	vld.idx.msk [tilespmem:v46+s10+$0x0], $0xffff;
	[tilespmem:s24+$0xD0] =	vst v20  }
0x118: {  	v16 =	vor.u32 v15, v16;
	[tilespmem:s24+$0xFFFFFFD0] =	vst v26;
	v20 =	vld.idx.msk [tilespmem:v27+s10+$0x0], $0xffff  }
0x119: {  	v25 =	vor.u32 v15, v25;
	v26 =	vld.idx.msk [tilespmem:v30+s10+$0x0], $0xffff;
	[tilespmem:s24+$0x50] =	vst v29  }
0x11a: {  	v22 =	vor.u32 v15, v22;
	[tilespmem:s24+$0xFFFFFF50] =	vst v21;
	v21 =	vld.idx.msk [tilespmem:v28+s10+$0x0], $0xffff  }
0x11b: {  	[tilespmem:s31+$0xFFFFFFF0] =	vst v17;
	v24 =	vor.u32 v15, v24;
	v23 =	vld.idx.msk [tilespmem:v23+s10+$0x0], $0xffff  }
0x11c: {  	v17 =	vor.u32 v15, v19;
	v18 =	vld.idx.msk [tilespmem:v18+s10+$0x0], $0xffff;
	[tilespmem:s31+$0xFFFFFF60] =	vst v31  }
0x11d: {  	v16 =	vld.idx.msk [tilespmem:v16+s10+$0x0], $0xffff;
	[tilespmem:s24+$0xE0] =	vst v20  }
0x11e: {  	[tilespmem:s24+$0xFFFFFFE0] =	vst v26;
	v19 =	vld.idx.msk [tilespmem:v25+s10+$0x0], $0xffff  }
0x11f: {  	v20 =	vld.idx.msk [tilespmem:v22+s10+$0x0], $0xffff;
	[tilespmem:s24+$0x60] =	vst v21  }
0x120: {  	v21 =	vld.idx.msk [tilespmem:v24+s10+$0x0], $0xffff;
	[tilespmem:s24+$0xFFFFFF60] =	vst v23  }
0x121: {  	[tilespmem:s31+$0x70] =	vst v18;
	v17 =	vld.idx.msk [tilespmem:v17+s10+$0x0], $0xffff  }
0x122: {  	[tilespmem:s31+$0xFFFFFF70] =	vst v16  }
0x123: {  	s7 =	sshll.u32 s29, $0x14;
	[tilespmem:s24+$0xF0] =	vst v19  }
0x124: {  	s0 =	sadd.s32 s26, s7;
	[tilespmem:s24+$0xFFFFFFF0] =	vst v20  }
0x125: {  	s0 =	sshrl.u32 s0, $0x3;
	[tilespmem:s24+$0x70] =	vst v21  }
0x126: {  	s7 =	simm.s32 $0x0;
	[tilespmem:s24+$0xFFFFFF70] =	vst v17;
	s24 =	sadd.s32 s1, s0  }
0x127: {  	[hbm4b:s24+s7] =	stream.linear.scatter [tilespmem:s13], [sflag:$0x3], $0x400, $0x38;
	[tilespmem:$0x7500] =	vst v63  }
0x128: {  	s24 =	sor.u32 $0x4000, s0  }
0x129: {  	s31 =	simm.s32 $0x1;
	s3 =	sadd.s32 s1, s24  }
0x12a: {  	[hbm4b:s3+s7] =	stream.linear.scatter [tilespmem:s14], [sflag:$0x3], $0x400, $0x38;
	[tilespmem:$0x7500] =	vst v63  }
0x12b: {  	v17 =	vmov s31;
	s24 =	sor.u32 $0x8000, s0;
	s3 =	simm.s32 $0x3  }
0x12c: {  	v17 =	vand.u32 $0x1D, v17;
	v16 =	vmov s3;
	s3 =	sadd.s32 s1, s24;
	s24 =	simm.s32 $0x2  }
0x12d: {  	s0 =	sor.u32 $0xC000, s0;
	v25 =	vbroadcast v17, $0x0;
	v16 =	vand.u32 $0x1F, v16;
	v18 =	vmov s24  }
0x12e: {  	v17 =	vmov s7;
	[hbm4b:s3+s7] =	stream.linear.scatter [tilespmem:s15], [sflag:$0x3], $0x400, $0x38;
	v22 =	vbroadcast v16, $0x0;
	v16 =	vand.u32 $0x1E, v18;
	[tilespmem:$0x7500] =	vst v63  }
0x12f: {  	s0 =	sadd.s32 s1, s0;
	v17 =	vand.u32 $0x1C, v17;
	v18 =	vor.u32 v3, v25;
	v24 =	vbroadcast v16, $0x0  }
0x130: {  	v20 =	vbroadcast v17, $0x0;
	[hbm4b:s0+s7] =	stream.linear.scatter [tilespmem:s16], [sflag:$0x3], $0x400, $0x38;
	v16 =	vor.u32 v3, v22;
	[tilespmem:$0x7500] =	vst v63  }
0x131: {  	_ =	swait.ge [sflag:s17], $0x1000;
	v17 =	vor.u32 v3, v24  }
0x132: {  	v19 =	vor.u32 v3, v20;
	[sflag:s17] =	ssyncset.done $0x0  }
0x133: {  	[sflag:s17] =	ssyncadd.s32 $0xFFFFF000  }
0x134: {  	v18 =	vld.idx.msk [tilespmem:v18+s11+$0x0], $0xffff  }
0x135: {  	v23 =	vor.u32 v9, v25;
	v16 =	vld.idx.msk [tilespmem:v16+s11+$0x0], $0xffff  }
0x136: {  	v21 =	vor.u32 v9, v22;
	v17 =	vld.idx.msk [tilespmem:v17+s11+$0x0], $0xffff  }
0x137: {  	v26 =	vor.u32 v9, v24;
	v19 =	vld.idx.msk [tilespmem:v19+s11+$0x0], $0xffff  }
0x138: {  	v27 =	vor.u32 v9, v20;
	s0 =	simm.s32 $0x66F0  }
0x139: {  	[tilespmem:s0+$0xFFFFFE90] =	vst v18  }
0x13a: {  	v18 =	vld.idx.msk [tilespmem:v23+s11+$0x0], $0xffff;
	[tilespmem:s0+$0xFFFFFF90] =	vst v16  }
0x13b: {  	v23 =	vor.u32 v10, v25;
	v16 =	vld.idx.msk [tilespmem:v21+s11+$0x0], $0xffff;
	[tilespmem:s0+$0xFFFFFF10] =	vst v17  }
0x13c: {  	[tilespmem:s0+$0xFFFFFE10] =	vst v19;
	v17 =	vor.u32 v10, v22;
	v21 =	vld.idx.msk [tilespmem:v26+s11+$0x0], $0xffff  }
0x13d: {  	v19 =	vor.u32 v10, v24;
	v26 =	vld.idx.msk [tilespmem:v27+s11+$0x0], $0xffff  }
0x13e: {  	v27 =	vor.u32 v10, v20  }
0x13f: {  	[tilespmem:s0+$0xFFFFFEA0] =	vst v18  }
0x140: {  	s24 =	simm.s32 $0x4;
	v23 =	vld.idx.msk [tilespmem:v23+s11+$0x0], $0xffff;
	[tilespmem:s0+$0xFFFFFFA0] =	vst v16  }
0x141: {  	v28 =	vor.u32 v11, v25;
	s7 =	simm.s32 $0x5;
	v16 =	vmov s24;
	v18 =	vld.idx.msk [tilespmem:v17+s11+$0x0], $0xffff;
	[tilespmem:s0+$0xFFFFFF20] =	vst v21  }
0x142: {  	v16 =	vand.u32 $0x1C, v16;
	v21 =	vor.u32 v11, v22;
	v17 =	vmov s7;
	[tilespmem:s0+$0xFFFFFE20] =	vst v26;
	v19 =	vld.idx.msk [tilespmem:v19+s11+$0x0], $0xffff  }
0x143: {  	v26 =	vor.u32 v11, v24;
	v16 =	vbroadcast v16, $0x0;
	v17 =	vand.u32 $0x1D, v17;
	v27 =	vld.idx.msk [tilespmem:v27+s11+$0x0], $0xffff  }
0x144: {  	v30 =	vor.u32 v11, v20;
	v17 =	vbroadcast v17, $0x0  }
0x145: {  	s24 =	simm.s32 $0x7;
	v29 =	vor.u32 v3, v16;
	[tilespmem:s0+$0xFFFFFEB0] =	vst v23  }
0x146: {  	v31 =	vor.u32 v3, v17;
	v28 =	vld.idx.msk [tilespmem:v28+s11+$0x0], $0xffff;
	[tilespmem:s0+$0xFFFFFFB0] =	vst v18;
	v18 =	vmov s24  }
0x147: {  	v47 =	vor.u32 v12, v25;
	s7 =	simm.s32 $0x6;
	v23 =	vld.idx.msk [tilespmem:v21+s11+$0x0], $0xffff;
	[tilespmem:s0+$0xFFFFFF30] =	vst v19;
	v18 =	vand.u32 $0x1F, v18  }
0x148: {  	v48 =	vmov s7;
	v19 =	vor.u32 v12, v22;
	[tilespmem:s0+$0xFFFFFE30] =	vst v27;
	v26 =	vld.idx.msk [tilespmem:v26+s11+$0x0], $0xffff;
	v21 =	vbroadcast v18, $0x0  }
0x149: {  	v27 =	vor.u32 v12, v24;
	v18 =	vand.u32 $0x1E, v48;
	v30 =	vld.idx.msk [tilespmem:v30+s11+$0x0], $0xffff  }
0x14a: {  	v29 =	vld.idx.msk [tilespmem:v29+s11+$0x0], $0xffff;
	v18 =	vbroadcast v18, $0x0;
	v49 =	vor.u32 v3, v21  }
0x14b: {  	v58 =	vor.u32 v9, v16;
	v31 =	vld.idx.msk [tilespmem:v31+s11+$0x0], $0xffff;
	[tilespmem:s0+$0xFFFFFEC0] =	vst v28  }
0x14c: {  	v50 =	vor.u32 v3, v18;
	v32 =	vld.idx.msk [tilespmem:v47+s11+$0x0], $0xffff;
	[tilespmem:s0+$0xFFFFFFC0] =	vst v23  }
0x14d: {  	s3 =	simm.s32 $0x8;
	v23 =	vor.u32 v12, v20;
	v28 =	vld.idx.msk [tilespmem:v19+s11+$0x0], $0xffff;
	[tilespmem:s0+$0xFFFFFF40] =	vst v26  }
0x14e: {  	s31 =	simm.s32 $0x68F0;
	v19 =	vmov s3;
	v26 =	vor.u32 v13, v22;
	[tilespmem:s0+$0xFFFFFE40] =	vst v30;
	v27 =	vld.idx.msk [tilespmem:v27+s11+$0x0], $0xffff  }
0x14f: {  	v51 =	vor.u32 v13, v25;
	v19 =	vand.u32 $0x1C, v19;
	[tilespmem:s31+$0xFFFFFE10] =	vst v29;
	v30 =	vld.idx.msk [tilespmem:v49+s11+$0x0], $0xffff  }
0x150: {  	v52 =	vor.u32 v13, v24;
	v19 =	vbroadcast v19, $0x0;
	v36 =	vld.idx.msk [tilespmem:v58+s11+$0x0], $0xffff  }
0x151: {  	v55 =	vor.u32 v9, v21;
	v34 =	vld.idx.msk [tilespmem:v50+s11+$0x0], $0xffff  }
0x152: {  	v53 =	vor.u32 v3, v19;
	v54 =	vld.idx.msk [tilespmem:v23+s11+$0x0], $0xffff;
	[tilespmem:s0+$0xFFFFFFD0] =	vst v28  }
0x153: {  	[tilespmem:s0+$0xFFFFFED0] =	vst v32;
	v28 =	vor.u32 v9, v17;
	v26 =	vld.idx.msk [tilespmem:v26+s11+$0x0], $0xffff  }
0x154: {  	v57 =	vor.u32 v14, v22;
	v35 =	vld.idx.msk [tilespmem:v51+s11+$0x0], $0xffff;
	[tilespmem:s0+$0xFFFFFF50] =	vst v27  }
0x155: {  	v56 =	vor.u32 v9, v18;
	v27 =	vld.idx.msk [tilespmem:v52+s11+$0x0], $0xffff;
	[tilespmem:s31+$0xFFFFFF90] =	vst v30  }
0x156: {  	[tilespmem:s31+$0xFFFFFE90] =	vst v31;
	v31 =	vor.u32 v13, v20;
	v30 =	vld.idx.msk [tilespmem:v55+s11+$0x0], $0xffff  }
0x157: {  	v59 =	vor.u32 v14, v25;
	[tilespmem:s31+$0xFFFFFE20] =	vst v36;
	v23 =	vld.idx.msk [tilespmem:v53+s11+$0x0], $0xffff  }
0x158: {  	v60 =	vor.u32 v10, v21;
	v28 =	vld.idx.msk [tilespmem:v28+s11+$0x0], $0xffff;
	[tilespmem:s0+$0xFFFFFFE0] =	vst v26  }
0x159: {  	v29 =	vor.u32 v10, v17;
	[tilespmem:s31+$0xFFFFFF10] =	vst v34;
	v33 =	vld.idx.msk [tilespmem:v57+s11+$0x0], $0xffff  }
0x15a: {  	v22 =	vor.u32 v15, v22;
	v32 =	vld.idx.msk [tilespmem:v56+s11+$0x0], $0xffff;
	[tilespmem:s0+$0xFFFFFE50] =	vst v54  }
0x15b: {  	v39 =	vor.u32 v10, v18;
	[tilespmem:s0+$0xFFFFFEE0] =	vst v35;
	v31 =	vld.idx.msk [tilespmem:v31+s11+$0x0], $0xffff  }
0x15c: {  	v61 =	vor.u32 v10, v16;
	v26 =	vld.idx.msk [tilespmem:v59+s11+$0x0], $0xffff;
	[tilespmem:s31+$0xFFFFFFA0] =	vst v30  }
0x15d: {  	v40 =	vor.u32 v14, v20;
	s24 =	simm.s32 $0x9;
	[tilespmem:s31+$0xFFFFFEA0] =	vst v28;
	v28 =	vld.idx.msk [tilespmem:v60+s11+$0x0], $0xffff  }
0x15e: {  	v30 =	vor.u32 v14, v24;
	v62 =	vld.idx.msk [tilespmem:v29+s11+$0x0], $0xffff;
	v29 =	vmov s24;
	[tilespmem:s0+$0xFFFFFFF0] =	vst v33  }
0x15f: {  	v41 =	vor.u32 v11, v21;
	[tilespmem:s31+$0xFFFFFF20] =	vst v32;
	v34 =	vld.idx.msk [tilespmem:v22+s11+$0x0], $0xffff;
	v22 =	vand.u32 $0x1D, v29  }
0x160: {  	v63 =	vor.u32 v11, v17;
	[tilespmem:s0+$0xFFFFFF60] =	vst v27;
	v39 =	vld.idx.msk [tilespmem:v39+s11+$0x0], $0xffff;
	v22 =	vbroadcast v22, $0x0  }
0x161: {  	v37 =	vor.u32 v11, v18;
	v32 =	vld.idx.msk [tilespmem:v61+s11+$0x0], $0xffff;
	[tilespmem:s0+$0xFFFFFE60] =	vst v31  }
0x162: {  	v27 =	vld.idx.msk [tilespmem:v40+s11+$0x0], $0xffff;
	[tilespmem:s31+$0xFFFFFFB0] =	vst v28;
	v28 =	vor.u32 v3, v22  }
0x163: {  	v35 =	vor.u32 v11, v16;
	v29 =	vld.idx.msk [tilespmem:v30+s11+$0x0], $0xffff  }
0x164: {  	v33 =	vor.u32 v15, v25;
	[tilespmem:s31+$0xFFFFFEB0] =	vst v62;
	v30 =	vld.idx.msk [tilespmem:v41+s11+$0x0], $0xffff  }
0x165: {  	s7 =	simm.s32 $0xC;
	v36 =	vor.u32 v15, v24;
	s24 =	simm.s32 $0xB;
	[tilespmem:s31+$0xFFFFFF30] =	vst v39;
	v31 =	vld.idx.msk [tilespmem:v63+s11+$0x0], $0xffff  }
.LBB2_8:
0x166: {  	p0 =	slt.u32 s7, $0x1C;
	v24 =	vmov s24;
	v25 =	vld.idx.msk [tilespmem:v37+s11+$0x0], $0xffff;
	v37 =	vor.u32 v12, v21;
	[tilespmem:s0+$0x0] =	vst v34  }
0x167: {  	s24 =	sadd.s32 $0x2, s3;
	s3 =	smov.u32 s7;
	v28 =	vld.idx.msk [tilespmem:v28+s11+$0x0], $0xffff;
	v24 =	vand.u32 $0x1F, v24;
	[tilespmem:s31+$0xFFFFFE30] =	vst v32;
	v32 =	vor.u32 v12, v17  }
0x168: {  	v38 =	vor.u32 v12, v18;
	v34 =	vmov s24;
	v24 =	vbroadcast v24, $0x0;
	v35 =	vld.idx.msk [tilespmem:v35+s11+$0x0], $0xffff;
	[tilespmem:s0+$0xFFFFFEF0] =	vst v26  }
0x169: {  	v26 =	vand.u32 $0x1E, v34;
	v34 =	vor.u32 v15, v20;
	v20 =	vmovc v16;
	v16 =	vmov v19;
	v33 =	vld.idx.msk [tilespmem:v33+s11+$0x0], $0xffff;
	[tilespmem:s0+$0xFFFFFF70] =	vst v29  }
0x16a: {  	v39 =	vbroadcast v26, $0x0;
	v26 =	vor.u32 v3, v24;
	[tilespmem:s31+$0xFFFFFFC0] =	vst v30;
	v29 =	vld.idx.msk [tilespmem:v36+s11+$0x0], $0xffff  }
0x16b: {  	v30 =	vor.u32 v12, v20;
	[tilespmem:s31+$0xFFFFFEC0] =	vst v31;
	v31 =	vld.idx.msk [tilespmem:v37+s11+$0x0], $0xffff  }
0x16c: {  	v19 =	vmov s7;
	v36 =	vor.u32 v3, v39;
	v32 =	vld.idx.msk [tilespmem:v32+s11+$0x0], $0xffff;
	[tilespmem:s31+$0xFFFFFF40] =	vst v25  }
0x16d: {  	v19 =	vand.u32 $0x1C, v19;
	v37 =	vor.u32 v13, v21;
	v25 =	vld.idx.msk [tilespmem:v38+s11+$0x0], $0xffff;
	[tilespmem:s0+$0xFFFFFE70] =	vst v27  }
0x16e: {  	v19 =	vbroadcast v19, $0x0;
	v27 =	vor.u32 v13, v17;
	[tilespmem:s31+$0xFFFFFE40] =	vst v35;
	v34 =	vld.idx.msk [tilespmem:v34+s11+$0x0], $0xffff  }
0x16f: {  	v35 =	vor.u32 v13, v18;
	v26 =	vld.idx.msk [tilespmem:v26+s11+$0x0], $0xffff;
	[tilespmem:s0+$0xFFFFFF00] =	vst v33  }
0x170: {  	v33 =	vor.u32 v3, v19;
	v30 =	vld.idx.msk [tilespmem:v30+s11+$0x0], $0xffff;
	[tilespmem:s0+$0xFFFFFF80] =	vst v29  }
0x171: {  	v29 =	vld.idx.msk [tilespmem:v36+s11+$0x0], $0xffff;
	v36 =	vor.u32 v9, v24;
	[tilespmem:s31+$0xFFFFFFD0] =	vst v31  }
0x172: {  	v31 =	vor.u32 v9, v22;
	[tilespmem:s31+$0xFFFFFED0] =	vst v32;
	v32 =	vld.idx.msk [tilespmem:v37+s11+$0x0], $0xffff  }
0x173: {  	v37 =	vor.u32 v9, v39;
	v27 =	vld.idx.msk [tilespmem:v27+s11+$0x0], $0xffff;
	[tilespmem:s31+$0xFFFFFF50] =	vst v25  }
0x174: {  	v25 =	vld.idx.msk [tilespmem:v35+s11+$0x0], $0xffff;
	v35 =	vor.u32 v14, v21;
	[tilespmem:s0+$0xFFFFFE80] =	vst v34;
	s0 =	smov.u32 s31;
	s31 =	sadd.s32 $0x200, s31  }
0x175: {  	v34 =	vor.u32 v9, v16;
	v33 =	vld.idx.msk [tilespmem:v33+s11+$0x0], $0xffff;
	[tilespmem:s31+$0xFFFFFF90] =	vst v26  }
0x176: {  	[tilespmem:s31+$0xFFFFFE90] =	vst v28;
	v26 =	vld.idx.msk [tilespmem:v36+s11+$0x0], $0xffff;
	v28 =	vor.u32 v13, v20  }
0x177: {  	v31 =	vld.idx.msk [tilespmem:v31+s11+$0x0], $0xffff;
	[tilespmem:s31+$0xFFFFFF10] =	vst v29;
	v29 =	vor.u32 v14, v17  }
0x178: {  	v36 =	vld.idx.msk [tilespmem:v37+s11+$0x0], $0xffff;
	v37 =	vor.u32 v10, v24;
	[tilespmem:s0+$0xFFFFFFE0] =	vst v32  }
0x179: {  	v32 =	vor.u32 v10, v22;
	[tilespmem:s31+$0xFFFFFE10] =	vst v23;
	v35 =	vld.idx.msk [tilespmem:v35+s11+$0x0], $0xffff  }
0x17a: {  	v38 =	vor.u32 v10, v39;
	v34 =	vld.idx.msk [tilespmem:v34+s11+$0x0], $0xffff;
	[tilespmem:s0+$0xFFFFFE50] =	vst v30  }
0x17b: {  	v23 =	vmov v33;
	v30 =	vld.idx.msk [tilespmem:v28+s11+$0x0], $0xffff;
	[tilespmem:s0+$0xFFFFFEE0] =	vst v27;
	v27 =	vor.u32 v15, v21;
	v21 =	vmov v24  }
0x17c: {  	v24 =	vor.u32 v10, v16;
	[tilespmem:s31+$0xFFFFFFA0] =	vst v26;
	v26 =	vld.idx.msk [tilespmem:v29+s11+$0x0], $0xffff  }
0x17d: {  	s24 =	sadd.s32 $0x1, s7;
	v29 =	vor.u32 v14, v18;
	[tilespmem:s31+$0xFFFFFEA0] =	vst v31;
	v31 =	vld.idx.msk [tilespmem:v37+s11+$0x0], $0xffff  }
0x17e: {  	v28 =	vmov s24;
	v33 =	vld.idx.msk [tilespmem:v32+s11+$0x0], $0xffff;
	[tilespmem:s31+$0xFFFFFF20] =	vst v36;
	v36 =	vor.u32 v14, v20  }
0x17f: {  	v28 =	vand.u32 $0x1D, v28;
	v40 =	vor.u32 v11, v21;
	v38 =	vld.idx.msk [tilespmem:v38+s11+$0x0], $0xffff;
	[tilespmem:s0+$0xFFFFFFF0] =	vst v35  }
0x180: {  	v42 =	vor.u32 v11, v22;
	v41 =	vbroadcast v28, $0x0;
	[tilespmem:s31+$0xFFFFFE20] =	vst v34;
	v34 =	vld.idx.msk [tilespmem:v27+s11+$0x0], $0xffff  }
.Ltmp2:
0x181: {  	v37 =	vor.u32 v11, v39;
	v32 =	vld.idx.msk [tilespmem:v24+s11+$0x0], $0xffff;
	[tilespmem:s0+$0xFFFFFF60] =	vst v25;
	(pc) =	sbr.rel @p0 .LBB2_8-.Ltmp2, $4  }
0x182: {  	v28 =	vor.u32 v3, v41;
	[tilespmem:s0+$0xFFFFFE60] =	vst v30;
	v29 =	vld.idx.msk [tilespmem:v29+s11+$0x0], $0xffff  }
0x183: {  	v35 =	vor.u32 v11, v16;
	[tilespmem:s31+$0xFFFFFFB0] =	vst v31;
	v27 =	vld.idx.msk [tilespmem:v36+s11+$0x0], $0xffff  }
0x184: {  	[tilespmem:s31+$0xFFFFFEB0] =	vst v33;
	v30 =	vld.idx.msk [tilespmem:v40+s11+$0x0], $0xffff;
	v33 =	vor.u32 v15, v17;
	v17 =	vmov v22;
	v22 =	vmov v41  }
0x185: {  	s7 =	sadd.s32 $0x4, s7;
	s24 =	sadd.s32 $0x3, s3;
	v36 =	vor.u32 v15, v18;
	v18 =	vmov v39;
	v31 =	vld.idx.msk [tilespmem:v42+s11+$0x0], $0xffff;
	[tilespmem:s31+$0xFFFFFF30] =	vst v38  }
0x186: {  	_ =	sdelay $0x1  }
0x187: {  	[tilespmem:s31+$0xFFFFFE30] =	vst v32  }
0x188: {  	[tilespmem:s0+$0xFFFFFEF0] =	vst v26  }
0x189: {  	v24 =	vmov s24;
	v53 =	vld.idx.msk [tilespmem:v37+s11+$0x0], $0xffff;
	v54 =	vor.u32 v12, v21;
	s3 =	sadd.s32 $0x2, s3;
	s24 =	sadd.s32 $0x200, s31;
	[tilespmem:s0+$0xFFFFFF70] =	vst v29  }
0x18a: {  	v55 =	vor.u32 v12, v17;
	v28 =	vld.idx.msk [tilespmem:v28+s11+$0x0], $0xffff;
	v24 =	vand.u32 $0x1F, v24;
	v38 =	vmov s3;
	[tilespmem:s24+$0xFFFFFE10] =	vst v23  }
0x18b: {  	v20 =	vor.u32 v15, v20;
	v56 =	vld.idx.msk [tilespmem:v35+s11+$0x0], $0xffff;
	v25 =	vbroadcast v24, $0x0;
	v58 =	vand.u32 $0x1E, v38;
	[tilespmem:s0+$0xFFFFFE70] =	vst v27  }
0x18c: {  	v43 =	vor.u32 v9, v19;
	v59 =	vld.idx.msk [tilespmem:v33+s11+$0x0], $0xffff;
	v24 =	vbroadcast v58, $0x0;
	[tilespmem:s31+$0xFFFFFFC0] =	vst v30  }
0x18d: {  	v61 =	vld.idx.msk [tilespmem:v36+s11+$0x0], $0xffff;
	v60 =	vor.u32 v3, v25;
	[tilespmem:s31+$0xFFFFFEC0] =	vst v31  }
0x18e: {  	v62 =	vld.idx.msk [tilespmem:v54+s11+$0x0], $0xffff;
	v63 =	vor.u32 v3, v24;
	[tilespmem:s31+$0xFFFFFF40] =	vst v53  }
0x18f: {  	v41 =	vor.u32 v9, v22;
	v32 =	vld.idx.msk [tilespmem:v55+s11+$0x0], $0xffff;
	[tilespmem:s24+$0xFFFFFE90] =	vst v28  }
0x190: {  	v57 =	vor.u32 v12, v18;
	v20 =	vld.idx.msk [tilespmem:v20+s11+$0x0], $0xffff;
	[tilespmem:s31+$0xFFFFFE40] =	vst v56  }
0x191: {  	v44 =	vor.u32 v12, v16;
	v51 =	vld.idx.msk [tilespmem:v43+s11+$0x0], $0xffff;
	[tilespmem:s0+$0xFFFFFF00] =	vst v59  }
0x192: {  	v38 =	vor.u32 v13, v21;
	[tilespmem:s0+$0xFFFFFF80] =	vst v61;
	v33 =	vld.idx.msk [tilespmem:v60+s11+$0x0], $0xffff  }
0x193: {  	v39 =	vor.u32 v9, v25;
	v40 =	vld.idx.msk [tilespmem:v63+s11+$0x0], $0xffff;
	[tilespmem:s31+$0xFFFFFFD0] =	vst v62  }
0x194: {  	v42 =	vor.u32 v9, v24;
	v47 =	vld.idx.msk [tilespmem:v41+s11+$0x0], $0xffff;
	[tilespmem:s31+$0xFFFFFED0] =	vst v32  }
0x195: {  	v50 =	vor.u32 v10, v22;
	v37 =	vld.idx.msk [tilespmem:v57+s11+$0x0], $0xffff;
	[tilespmem:s0+$0xFFFFFE80] =	vst v20  }
0x196: {  	v56 =	vor.u32 v13, v18;
	v53 =	vld.idx.msk [tilespmem:v44+s11+$0x0], $0xffff;
	[tilespmem:s24+$0xFFFFFE20] =	vst v51  }
0x197: {  	v45 =	vor.u32 v13, v17;
	v26 =	vld.idx.msk [tilespmem:v38+s11+$0x0], $0xffff;
	[tilespmem:s24+$0xFFFFFF90] =	vst v33  }
0x198: {  	v54 =	vor.u32 v10, v19;
	v46 =	vld.idx.msk [tilespmem:v39+s11+$0x0], $0xffff;
	[tilespmem:s24+$0xFFFFFF10] =	vst v40  }
0x199: {  	v48 =	vor.u32 v10, v25;
	[tilespmem:s24+$0xFFFFFEA0] =	vst v47;
	v49 =	vld.idx.msk [tilespmem:v42+s11+$0x0], $0xffff  }
0x19a: {  	v52 =	vor.u32 v10, v24;
	[tilespmem:s31+$0xFFFFFF50] =	vst v37;
	v23 =	vld.idx.msk [tilespmem:v50+s11+$0x0], $0xffff  }
0x19b: {  	v63 =	vor.u32 v13, v16;
	[tilespmem:s31+$0xFFFFFE50] =	vst v53;
	v28 =	vld.idx.msk [tilespmem:v56+s11+$0x0], $0xffff  }
0x19c: {  	v55 =	vor.u32 v14, v21;
	v33 =	vld.idx.msk [tilespmem:v45+s11+$0x0], $0xffff;
	[tilespmem:s31+$0xFFFFFFE0] =	vst v26  }
0x19d: {  	v59 =	vor.u32 v11, v22;
	v26 =	vld.idx.msk [tilespmem:v54+s11+$0x0], $0xffff;
	[tilespmem:s24+$0xFFFFFFA0] =	vst v46  }
0x19e: {  	v62 =	vor.u32 v11, v19;
	v57 =	vld.idx.msk [tilespmem:v48+s11+$0x0], $0xffff;
	[tilespmem:s24+$0xFFFFFF20] =	vst v49  }
0x19f: {  	v58 =	vor.u32 v11, v25;
	[tilespmem:s24+$0xFFFFFEB0] =	vst v23;
	v27 =	vld.idx.msk [tilespmem:v52+s11+$0x0], $0xffff  }
0x1a0: {  	v60 =	vor.u32 v11, v24;
	v43 =	vld.idx.msk [tilespmem:v63+s11+$0x0], $0xffff;
	[tilespmem:s31+$0xFFFFFF60] =	vst v28  }
0x1a1: {  	v45 =	vor.u32 v14, v17;
	v61 =	vld.idx.msk [tilespmem:v55+s11+$0x0], $0xffff;
	[tilespmem:s31+$0xFFFFFEE0] =	vst v33  }
0x1a2: {  	v36 =	vor.u32 v15, v21;
	v20 =	vld.idx.msk [tilespmem:v59+s11+$0x0], $0xffff;
	[tilespmem:s24+$0xFFFFFE30] =	vst v26  }
0x1a3: {  	v40 =	vor.u32 v12, v22;
	v41 =	vld.idx.msk [tilespmem:v62+s11+$0x0], $0xffff;
	[tilespmem:s24+$0xFFFFFFB0] =	vst v57  }
0x1a4: {  	v44 =	vor.u32 v12, v19;
	v37 =	vld.idx.msk [tilespmem:v58+s11+$0x0], $0xffff;
	[tilespmem:s24+$0xFFFFFF30] =	vst v27  }
0x1a5: {  	v38 =	vor.u32 v12, v25;
	[tilespmem:s31+$0xFFFFFE60] =	vst v43;
	v39 =	vld.idx.msk [tilespmem:v60+s11+$0x0], $0xffff  }
0x1a6: {  	v42 =	vor.u32 v12, v24;
	v51 =	vld.idx.msk [tilespmem:v45+s11+$0x0], $0xffff;
	[tilespmem:s31+$0xFFFFFFF0] =	vst v61  }
0x1a7: {  	v46 =	vor.u32 v14, v18;
	v21 =	vld.idx.msk [tilespmem:v36+s11+$0x0], $0xffff;
	[tilespmem:s24+$0xFFFFFEC0] =	vst v20  }
0x1a8: {  	v17 =	vor.u32 v15, v17;
	v26 =	vld.idx.msk [tilespmem:v40+s11+$0x0], $0xffff;
	[tilespmem:s24+$0xFFFFFE40] =	vst v41  }
0x1a9: {  	v49 =	vor.u32 v13, v22;
	v28 =	vld.idx.msk [tilespmem:v44+s11+$0x0], $0xffff;
	[tilespmem:s24+$0xFFFFFFC0] =	vst v37  }
0x1aa: {  	v52 =	vor.u32 v13, v19;
	v47 =	vld.idx.msk [tilespmem:v38+s11+$0x0], $0xffff;
	[tilespmem:s24+$0xFFFFFF40] =	vst v39  }
0x1ab: {  	v48 =	vor.u32 v13, v25;
	[tilespmem:s31+$0xFFFFFEF0] =	vst v51;
	v29 =	vld.idx.msk [tilespmem:v42+s11+$0x0], $0xffff  }
0x1ac: {  	v50 =	vor.u32 v13, v24;
	v23 =	vld.idx.msk [tilespmem:v46+s11+$0x0], $0xffff;
	[tilespmem:s31+$0x0] =	vst v21  }
0x1ad: {  	v17 =	vld.idx.msk [tilespmem:v17+s11+$0x0], $0xffff;
	[tilespmem:s24+$0xFFFFFED0] =	vst v26  }
0x1ae: {  	v53 =	vor.u32 v14, v16;
	v26 =	vld.idx.msk [tilespmem:v49+s11+$0x0], $0xffff;
	[tilespmem:s24+$0xFFFFFE50] =	vst v28  }
0x1af: {  	v55 =	vor.u32 v14, v22;
	v21 =	vld.idx.msk [tilespmem:v52+s11+$0x0], $0xffff;
	[tilespmem:s24+$0xFFFFFFD0] =	vst v47  }
0x1b0: {  	v58 =	vor.u32 v14, v19;
	v20 =	vld.idx.msk [tilespmem:v48+s11+$0x0], $0xffff;
	[tilespmem:s24+$0xFFFFFF50] =	vst v29  }
0x1b1: {  	v54 =	vor.u32 v14, v25;
	[tilespmem:s31+$0xFFFFFF70] =	vst v23;
	v29 =	vld.idx.msk [tilespmem:v50+s11+$0x0], $0xffff  }
0x1b2: {  	v56 =	vor.u32 v14, v24;
	[tilespmem:s31+$0xFFFFFF00] =	vst v17  }
0x1b3: {  	v59 =	vor.u32 v15, v18;
	v57 =	vld.idx.msk [tilespmem:v53+s11+$0x0], $0xffff;
	[tilespmem:s24+$0xFFFFFEE0] =	vst v26  }
0x1b4: {  	v16 =	vor.u32 v15, v16;
	v26 =	vld.idx.msk [tilespmem:v55+s11+$0x0], $0xffff;
	[tilespmem:s24+$0xFFFFFE60] =	vst v21  }
0x1b5: {  	v61 =	vor.u32 v15, v22;
	v23 =	vld.idx.msk [tilespmem:v58+s11+$0x0], $0xffff;
	[tilespmem:s24+$0xFFFFFFE0] =	vst v20  }
0x1b6: {  	v17 =	vor.u32 v15, v19;
	v20 =	vld.idx.msk [tilespmem:v54+s11+$0x0], $0xffff;
	[tilespmem:s24+$0xFFFFFF60] =	vst v29  }
0x1b7: {  	[tilespmem:s0+$0x0] =	vst v34;
	v25 =	vor.u32 v15, v25;
	v60 =	vld.idx.msk [tilespmem:v56+s11+$0x0], $0xffff  }
0x1b8: {  	v24 =	vor.u32 v15, v24;
	[tilespmem:s31+$0xFFFFFE70] =	vst v57;
	v18 =	vld.idx.msk [tilespmem:v59+s11+$0x0], $0xffff  }
0x1b9: {  	v16 =	vld.idx.msk [tilespmem:v16+s11+$0x0], $0xffff;
	[tilespmem:s24+$0xFFFFFEF0] =	vst v26  }
0x1ba: {  	v63 =	vld.idx.msk [tilespmem:v61+s11+$0x0], $0xffff;
	[tilespmem:s24+$0xFFFFFE70] =	vst v23  }
0x1bb: {  	v17 =	vld.idx.msk [tilespmem:v17+s11+$0x0], $0xffff;
	[tilespmem:s24+$0xFFFFFFF0] =	vst v20  }
0x1bc: {  	v62 =	vld.idx.msk [tilespmem:v25+s11+$0x0], $0xffff;
	[tilespmem:s24+$0xFFFFFF70] =	vst v60  }
0x1bd: {  	[tilespmem:s31+$0xFFFFFF80] =	vst v18;
	v21 =	vld.idx.msk [tilespmem:v24+s11+$0x0], $0xffff  }
0x1be: {  	[tilespmem:s31+$0xFFFFFE80] =	vst v16  }
0x1bf: {  	s7 =	sshll.u32 s30, $0x13;
	[tilespmem:s24+$0xFFFFFF00] =	vst v63  }
0x1c0: {  	s0 =	sadd.s32 s26, s7;
	[tilespmem:s24+$0xFFFFFE80] =	vst v17  }
0x1c1: {  	s0 =	sshrl.u32 s0, $0x3;
	[tilespmem:s24+$0x0] =	vst v62  }
0x1c2: {  	s30 =	sor.u32 $0x4000, s0;
	[tilespmem:s24+$0xFFFFFF80] =	vst v21;
	s24 =	sadd.s32 s1, s0  }
0x1c3: {  	[hbm4b:s24+s2] =	stream.linear.scatter [tilespmem:s18], [sflag:$0x4], $0x400, $0x38;
	[tilespmem:$0x7500] =	vst v63  }
0x1c4: {  	s3 =	sadd.s32 s1, s30;
	s31 =	sor.u32 $0x8000, s0  }
0x1c5: {  	[hbm4b:s3+s2] =	stream.linear.scatter [tilespmem:s19], [sflag:$0x4], $0x400, $0x38;
	[tilespmem:$0x7500] =	vst v63  }
0x1c6: {  	s0 =	sor.u32 $0xC000, s0;
	s3 =	sadd.s32 s1, s31  }
0x1c7: {  	[hbm4b:s3+s2] =	stream.linear.scatter [tilespmem:s20], [sflag:$0x4], $0x400, $0x38;
	[tilespmem:$0x7500] =	vst v63  }
0x1c8: {  	s0 =	sadd.s32 s1, s0  }
0x1c9: {  	[hbm4b:s0+s2] =	stream.linear.scatter [tilespmem:s21], [sflag:$0x4], $0x400, $0x38;
	[tilespmem:$0x7500] =	vst v63  }
0x1ca: {  	_ =	swait.ge [sflag:s22], $0x400  }
0x1cb: {  	[sflag:s22] =	ssyncset.done $0x0  }
0x1cc: {  	[sflag:s22] =	ssyncadd.s32 $0xFFFFFC00  }
0x1cd: {  	_ =	swait.ge [sflag:s22], $0x400  }
0x1ce: {  	[sflag:s22] =	ssyncset.done $0x0  }
0x1cf: {  	[sflag:s22] =	ssyncadd.s32 $0xFFFFFC00  }
0x1d0: {  	_ =	swait.ge [sflag:s22], $0x400  }
0x1d1: {  	[sflag:s22] =	ssyncset.done $0x0  }
0x1d2: {  	[sflag:s22] =	ssyncadd.s32 $0xFFFFFC00  }
0x1d3: {  	_ =	swait.ge [sflag:s22], $0x400  }
0x1d4: {  	[sflag:s22] =	ssyncset.done $0x0  }
0x1d5: {  	[sflag:s22] =	ssyncadd.s32 $0xFFFFFC00  }
0x1d6: {  	_ =	swait.ge [sflag:s23], $0x400  }
0x1d7: {  	[sflag:s23] =	ssyncset.done $0x0  }
0x1d8: {  	[sflag:s23] =	ssyncadd.s32 $0xFFFFFC00  }
0x1d9: {  	_ =	swait.ge [sflag:s23], $0x400  }
0x1da: {  	[sflag:s23] =	ssyncset.done $0x0  }
0x1db: {  	s29 =	sadd.s32 $0x1, s29;
	[sflag:s23] =	ssyncadd.s32 $0xFFFFFC00  }
0x1dc: {  	p0 =	sne.s32 s29, $0x19;
	_ =	swait.ge [sflag:s23], $0x400  }
.Ltmp3:
0x1dd: {  	[sflag:s23] =	ssyncset.done $0x0;
	(pc) =	sbr.rel @p0 .LBB2_5-.Ltmp3, $4  }
0x1de: {  	[sflag:s23] =	ssyncadd.s32 $0xFFFFFC00  }
0x1df: {  	_ =	swait.ge [sflag:s23], $0x400  }
0x1e0: {  	[sflag:s23] =	ssyncset.done $0x0  }
0x1e1: {  	[sflag:s23] =	ssyncadd.s32 $0xFFFFFC00  }
0x1e2: {  	s25 =	sadd.s32 $0x1, s25  }
0x1e3: {  	p0 =	sne.s32 s25, $0x4  }
.Ltmp4:
0x1e4: {  	_ = 	snop;
	(pc) =	sbr.rel @p0 .LBB2_2-.Ltmp4, $1  }
0x1e5: {  	_ =	sdelay $0x3  }
0x1e6: {  	s3 =	rddreg [dreg:$0x4]  }
0x1e7: {  	s0 =	rddreg [dreg:$0x3];
	s3 =	sadd.s32 $0x1, s3  }
0x1e8: {  	p0 =	sne.s32 s3, s0  }
.Ltmp5:
0x1e9: {  	_ = 	snop;
	(pc) =	sbr.rel @p0 .LBB2_1-.Ltmp5, $1  }
0x1ea: {  	_ =	sdelay $0x3  }
0x1eb: {  	_ =	sfence.sel $0x180000  }
0x1ec: {  	[bflag:$0x0] =	sbarrier.arrive $0xFFFF  }
0x1ed: {  	_ =	strace $0x90000047  }
0x1ee: {  	s0 =	stileid.u32;
	[bflag:$0x2] =	sbarrier.arrive $0xFFFF  }
0x1ef: {  	p0 =	sne.s32 s0, $0x0;
	s0 =	rddreg [dreg:$0x2]  }
0x1f0: {  	s0 =	sadd.s32 @!p0 $0x100000, s0  }
0x1f1: {  	[sflag:s0] =	ssyncadd.tile.s32 @!p0 $0x1;
	_ =	shalt  }
.Lfunc_end2:
_tile_overlayer_lowered:
.L_overlay_start_2:
0x1f2: {  	(tag) =	ssettag $0x2  }
0x1f3: {  	s0 =	rddreg [dreg:$0x0];
	s2 =	stileid.u32  }
0x1f4: {  	s1 =	rddreg [dreg:$0x1];
	p0 =	sne.s32 s2, $0x0  }
0x1f5: {  	s3 =	rddreg [dreg:$0x2];
	[bflag:$0x3] =	sbarrier.arrive $0xFFFF;
	s2 =	simm.s32 @!p0 $0x1C05  }
0x1f6: {  	[timem:s3], [sflag:s2] =	dma.local @!p0 [hbm:s0], s1  }
0x1f7: {  	s0 =	simm.s32 @!p0 $0x5  }
0x1f8: {  	_ =	swait.ge @!p0 [sflag:s0], s1  }
0x1f9: {  	s1 =	ssub.s32 @!p0 $0x0, s1;
	[sflag:s0] =	ssyncset.done @!p0 $0x0  }
0x1fa: {  	[sflag:s0] =	ssyncadd.s32 @!p0 s1  }
0x1fb: {  	[bflag:$0x3] =	sbarrier.arrive $0xFFFF  }
0x1fc: {  	_ =	shalt  }

</sc_bundles>
